<compile_context>
chip_gen: v7x
topology: tpu7x:2x2x1
jax: 0.10.2.dev20260603
libtpu: 0.0.44.dev20260713+nightly
codegen_flags: <defaults>
</compile_context>

<pallas_src>
import functools

import jax
import jax.numpy as jnp
from jax import lax
from jax.experimental import pallas as pl
from jax.experimental.pallas import tpu as pltpu
from jax.experimental.pallas import tpu_sc as plsc

_N = 10000
_E = 320000
_D = 128
_NC = 2
_NS = 16
_NW = _NC * _NS
_EPW = _E // _NW
_CHUNK = 40
_NCHUNK = _EPW // _CHUNK
_NBUF = 5
_NRING = _NCHUNK // _NBUF
_SLAB = 624
_LAST_SLAB = _N - _SLAB * (_NS - 1)


def _make_sc_aggregate():
    mesh = plsc.VectorSubcoreMesh(core_axis_name="c", subcore_axis_name="s")

    @functools.partial(
        pl.kernel,
        mesh=mesh,
        out_type=jax.ShapeDtypeStruct((_NC, _N, _D), jnp.float32),
        scratch_types=(
            [pltpu.VMEM((_CHUNK,), jnp.int32) for _ in range(_NBUF)]
            + [pltpu.VMEM((_CHUNK,), jnp.int32) for _ in range(_NBUF)]
            + [pltpu.VMEM((_CHUNK, _D), jnp.float32) for _ in range(_NBUF)]
            + [pltpu.VMEM_SHARED((_N, _D), jnp.float32)]
            + [pltpu.SemaphoreType.DMA for _ in range(3 * _NBUF + 1)]
        ),
    )
    def agg(x_hbm, edges_hbm, zero_hbm, out_hbm, *scr):
        src_v = scr[:_NBUF]
        dst_v = scr[_NBUF:2 * _NBUF]
        rows_v = scr[2 * _NBUF:3 * _NBUF]
        acc_sh = scr[3 * _NBUF]
        gsem = scr[3 * _NBUF + 1:4 * _NBUF + 1]
        ssem = scr[4 * _NBUF + 1:5 * _NBUF + 1]
        isem = scr[5 * _NBUF + 1:6 * _NBUF + 1]
        zsem = scr[6 * _NBUF + 1]

        cid = lax.axis_index("c")
        sid = lax.axis_index("s")
        wid = cid * _NS + sid
        rbase = sid * _SLAB
        ebase = wid * _EPW

        def idx_start(i, b):
            off = ebase + i * _CHUNK
            pltpu.async_copy(edges_hbm.at[pl.ds(_E + off, _CHUNK)],
                             src_v[b], isem[b])
            pltpu.async_copy(edges_hbm.at[pl.ds(off, _CHUNK)],
                             dst_v[b], isem[b])

        def idx_wait(b):
            pltpu.make_async_copy(edges_hbm.at[pl.ds(0, _CHUNK)],
                                  src_v[b], isem[b]).wait()
            pltpu.make_async_copy(edges_hbm.at[pl.ds(0, _CHUNK)],
                                  dst_v[b], isem[b]).wait()

        def gather_start(b):
            pltpu.async_copy(x_hbm.at[src_v[b]], rows_v[b], gsem[b])

        def gather_wait(b):
            pltpu.make_async_copy(x_hbm.at[src_v[b]], rows_v[b],
                                  gsem[b]).wait()

        def scatter_start(b):
            pltpu.async_copy(rows_v[b], acc_sh.at[dst_v[b]], ssem[b],
                             add=True)

        def scatter_wait(b):
            pltpu.make_async_copy(rows_v[b], acc_sh.at[dst_v[b]],
                                  ssem[b]).wait()

        for b in range(_NBUF):
            idx_start(b, b)

        @pl.when(sid != _NS - 1)
        def _():
            pltpu.async_copy(zero_hbm.at[pl.ds(rbase, _SLAB)],
                             acc_sh.at[pl.ds(rbase, _SLAB)], zsem)

        @pl.when(sid == _NS - 1)
        def _():
            pltpu.async_copy(zero_hbm.at[pl.ds(rbase, _LAST_SLAB)],
                             acc_sh.at[pl.ds(rbase, _LAST_SLAB)], zsem)

        for b in range(_NBUF):
            idx_wait(b)
            gather_start(b)

        @pl.when(sid != _NS - 1)
        def _():
            pltpu.make_async_copy(zero_hbm.at[pl.ds(rbase, _SLAB)],
                                  acc_sh.at[pl.ds(rbase, _SLAB)], zsem).wait()

        @pl.when(sid == _NS - 1)
        def _():
            pltpu.make_async_copy(
                zero_hbm.at[pl.ds(rbase, _LAST_SLAB)],
                acc_sh.at[pl.ds(rbase, _LAST_SLAB)], zsem).wait()

        plsc.subcore_barrier()

        for b in range(_NBUF):
            gather_wait(b)
            scatter_start(b)
            idx_start(_NBUF + b, b)

        def body(k, carry):
            i0 = k * _NBUF
            for b in range(_NBUF):
                scatter_wait(b)
                idx_wait(b)
                gather_start(b)
            for b in range(_NBUF):
                gather_wait(b)
                scatter_start(b)
                idx_start(i0 + _NBUF + b, b)
            return carry

        lax.fori_loop(1, _NRING - 1, body, 0)

        for b in range(_NBUF):
            scatter_wait(b)
            idx_wait(b)
            gather_start(b)
        for b in range(_NBUF):
            gather_wait(b)
            scatter_start(b)
        for b in range(_NBUF):
            scatter_wait(b)

        plsc.subcore_barrier()

        @pl.when(sid != _NS - 1)
        def _():
            pltpu.sync_copy(acc_sh.at[pl.ds(rbase, _SLAB)],
                            out_hbm.at[cid, pl.ds(rbase, _SLAB)])

        @pl.when(sid == _NS - 1)
        def _():
            pltpu.sync_copy(acc_sh.at[pl.ds(rbase, _LAST_SLAB)],
                            out_hbm.at[cid, pl.ds(rbase, _LAST_SLAB)])

    return agg


_sc_aggregate = _make_sc_aggregate()

_BLK = 1000


def _combine_body(p_ref, w_ref, o_ref):
    s = p_ref[0] + p_ref[1]
    acc = jnp.dot(s, w_ref[...], preferred_element_type=jnp.float32)
    o_ref[...] = jnp.maximum(acc, 0.0)


def _combine(parts, W):
    return pl.pallas_call(
        _combine_body,
        grid=(_N // _BLK,),
        in_specs=[
            pl.BlockSpec((_NC, _BLK, _D), lambda i: (0, i, 0)),
            pl.BlockSpec((_D, _D), lambda i: (0, 0)),
        ],
        out_specs=pl.BlockSpec((_BLK, _D), lambda i: (i, 0)),
        out_shape=jax.ShapeDtypeStruct((_N, _D), jnp.float32),
    )(parts, W)


@jax.jit
def kernel(x, edge_index, W):
    edges = edge_index.reshape(2 * _E)
    zeros = jnp.zeros((_N, _D), jnp.float32)
    parts = _sc_aggregate(x, edges, zeros)
    return _combine(parts, W)

# --- scband reference (transcript-rebuilt; emitter-appended) ---
"""Pipeline reference for scband-message-passing-16561393893531 (READ-ONLY COPY).

The authoritative reference and input builder live on the scoring server;
editing this copy changes nothing except your own understanding.
"""

import jax, jax.numpy as jnp
import numpy as np

N = 10000
E = 320000
D_IN = 128
D_OUT = 128


def _xavier_uniform(key, fan_in, fan_out, gain=1.414):
    bound = gain * np.sqrt(6.0 / (fan_in + fan_out))
    return jax.random.uniform(key, (fan_in, fan_out), dtype=jnp.float32, minval=-bound, maxval=bound)


def setup_inputs(seed: int = 0) -> dict:
    key = jax.random.key(seed)
    k1, k2, k3 = jax.random.split(key, 3)
    x = jax.random.normal(k1, (N, D_IN), dtype=jnp.float32)
    edge_index = jax.random.randint(k2, (2, E), 0, N, dtype=jnp.int32)
    W = _xavier_uniform(k3, D_IN, D_OUT)
    return {"x": x, "edge_index": edge_index, "W": W}


def reference(x, edge_index, W):
    # message step 1: weighted_x = x @ W
    weighted_x = jnp.dot(x, W)
    # message step 2: neighborhood @ weighted_x, where neighborhood is the
    # sparse [N, N] adjacency given by edge_index (row=dst, col=src).
    # Equivalent to gather rows at src then scatter-add into dst.
    dst = edge_index[0]
    src = edge_index[1]
    gathered = jnp.take(weighted_x, src, axis=0)
    msg = jax.ops.segment_sum(gathered, dst, num_segments=N)
    # update_on_message == 'relu'
    return jax.nn.relu(msg)

if __name__ == "__main__":
    import jax
    _d = setup_inputs()
    print(jax.jit(kernel)(*tuple(_d.values())))

</pallas_src>

<mosaic_0001>
#map = affine_map<(d0, d1) -> (0, 0)>
#map1 = affine_map<(d0, d1) -> (0)>
#map2 = affine_map<(d0, d1) -> (0, 0, 0)>
module attributes {stable_mosaic.version = 14 : i64} {
  func.func @agg(%arg0: i32, %arg1: i32, %arg2: memref<10000x128xf32, #tpu.memory_space<hbm>>, %arg3: memref<640000xi32, #tpu.memory_space<hbm>>, %arg4: memref<10000x128xf32, #tpu.memory_space<hbm>>, %arg5: memref<2x10000x128xf32, #tpu.memory_space<hbm>>, %arg6: memref<40xi32, #tpu.memory_space<vmem>>, %arg7: memref<40xi32, #tpu.memory_space<vmem>>, %arg8: memref<40xi32, #tpu.memory_space<vmem>>, %arg9: memref<40xi32, #tpu.memory_space<vmem>>, %arg10: memref<40xi32, #tpu.memory_space<vmem>>, %arg11: memref<40xi32, #tpu.memory_space<vmem>>, %arg12: memref<40xi32, #tpu.memory_space<vmem>>, %arg13: memref<40xi32, #tpu.memory_space<vmem>>, %arg14: memref<40xi32, #tpu.memory_space<vmem>>, %arg15: memref<40xi32, #tpu.memory_space<vmem>>, %arg16: memref<40x128xf32, #tpu.memory_space<vmem>>, %arg17: memref<40x128xf32, #tpu.memory_space<vmem>>, %arg18: memref<40x128xf32, #tpu.memory_space<vmem>>, %arg19: memref<40x128xf32, #tpu.memory_space<vmem>>, %arg20: memref<40x128xf32, #tpu.memory_space<vmem>>, %arg21: memref<10000x128xf32, #tpu.memory_space<vmem_shared>>, %arg22: memref<!tpu.dma_semaphore, #tpu.memory_space<semaphore_mem>>, %arg23: memref<!tpu.dma_semaphore, #tpu.memory_space<semaphore_mem>>, %arg24: memref<!tpu.dma_semaphore, #tpu.memory_space<semaphore_mem>>, %arg25: memref<!tpu.dma_semaphore, #tpu.memory_space<semaphore_mem>>, %arg26: memref<!tpu.dma_semaphore, #tpu.memory_space<semaphore_mem>>, %arg27: memref<!tpu.dma_semaphore, #tpu.memory_space<semaphore_mem>>, %arg28: memref<!tpu.dma_semaphore, #tpu.memory_space<semaphore_mem>>, %arg29: memref<!tpu.dma_semaphore, #tpu.memory_space<semaphore_mem>>, %arg30: memref<!tpu.dma_semaphore, #tpu.memory_space<semaphore_mem>>, %arg31: memref<!tpu.dma_semaphore, #tpu.memory_space<semaphore_mem>>, %arg32: memref<!tpu.dma_semaphore, #tpu.memory_space<semaphore_mem>>, %arg33: memref<!tpu.dma_semaphore, #tpu.memory_space<semaphore_mem>>, %arg34: memref<!tpu.dma_semaphore, #tpu.memory_space<semaphore_mem>>, %arg35: memref<!tpu.dma_semaphore, #tpu.memory_space<semaphore_mem>>, %arg36: memref<!tpu.dma_semaphore, #tpu.memory_space<semaphore_mem>>, %arg37: memref<!tpu.dma_semaphore, #tpu.memory_space<semaphore_mem>>) attributes {dimension_semantics = [#tpu.dimension_semantics<core_parallel>, #tpu.dimension_semantics<subcore_parallel>], iteration_bounds = array<i64: 2, 16>, scalar_prefetch = 0 : i64, scratch_operands = 32 : i64, tpu.core_type = #tpu.core_type<sc_vector_subcore>, window_params = [{transform_indices = #map}, {transform_indices = #map1}, {transform_indices = #map}, {transform_indices = #map2}]} {
    %mul3A = arith.constant 16 : i32
    %mul3A_0 = arith.muli %arg0, %mul3A : i32
    %add3A = arith.addi %mul3A_0, %arg1 : i32
    %mul3A_1 = arith.constant 624 : i32
    %mul3A_2 = arith.muli %arg1, %mul3A_1 : i32
    %mul3A_3 = arith.constant 10000 : i32
    %mul3A_4 = arith.muli %add3A, %mul3A_3 : i32
    %add3A_5 = arith.constant 0 : i32
    %add3A_6 = arith.addi %mul3A_4, %add3A_5 : i32
    %add3A_7 = arith.constant 320000 : i32
    %add3A_8 = arith.addi %add3A_7, %add3A_6 : i32
    %dma_start3A = tpu.memref_slice %arg3[%add3A_8] : memref<640000xi32, #tpu.memory_space<hbm>> -> memref<40xi32, #tpu.memory_space<hbm>>
    %dma_start3A_9 = tpu.memref_slice %arg3[%add3A_8] : memref<640000xi32, #tpu.memory_space<hbm>> -> memref<40xi32, #tpu.memory_space<hbm>>
    tpu.enqueue_dma source(%dma_start3A_9 : memref<40xi32, #tpu.memory_space<hbm>>) target(%arg6 : memref<40xi32, #tpu.memory_space<vmem>>) target_semaphore(%arg32 : memref<!tpu.dma_semaphore, #tpu.memory_space<semaphore_mem>>)
    %dma_start3A_10 = tpu.memref_slice %arg3[%add3A_6] : memref<640000xi32, #tpu.memory_space<hbm>> -> memref<40xi32, #tpu.memory_space<hbm>>
    %dma_start3A_11 = tpu.memref_slice %arg3[%add3A_6] : memref<640000xi32, #tpu.memory_space<hbm>> -> memref<40xi32, #tpu.memory_space<hbm>>
    tpu.enqueue_dma source(%dma_start3A_11 : memref<40xi32, #tpu.memory_space<hbm>>) target(%arg11 : memref<40xi32, #tpu.memory_space<vmem>>) target_semaphore(%arg32 : memref<!tpu.dma_semaphore, #tpu.memory_space<semaphore_mem>>)
    %add3A_12 = arith.constant 40 : i32
    %add3A_13 = arith.addi %mul3A_4, %add3A_12 : i32
    %add3A_14 = arith.constant 320000 : i32
    %add3A_15 = arith.addi %add3A_14, %add3A_13 : i32
    %dma_start3A_16 = tpu.memref_slice %arg3[%add3A_15] : memref<640000xi32, #tpu.memory_space<hbm>> -> memref<40xi32, #tpu.memory_space<hbm>>
    %dma_start3A_17 = tpu.memref_slice %arg3[%add3A_15] : memref<640000xi32, #tpu.memory_space<hbm>> -> memref<40xi32, #tpu.memory_space<hbm>>
    tpu.enqueue_dma source(%dma_start3A_17 : memref<40xi32, #tpu.memory_space<hbm>>) target(%arg7 : memref<40xi32, #tpu.memory_space<vmem>>) target_semaphore(%arg33 : memref<!tpu.dma_semaphore, #tpu.memory_space<semaphore_mem>>)
    %dma_start3A_18 = tpu.memref_slice %arg3[%add3A_13] : memref<640000xi32, #tpu.memory_space<hbm>> -> memref<40xi32, #tpu.memory_space<hbm>>
    %dma_start3A_19 = tpu.memref_slice %arg3[%add3A_13] : memref<640000xi32, #tpu.memory_space<hbm>> -> memref<40xi32, #tpu.memory_space<hbm>>
    tpu.enqueue_dma source(%dma_start3A_19 : memref<40xi32, #tpu.memory_space<hbm>>) target(%arg12 : memref<40xi32, #tpu.memory_space<vmem>>) target_semaphore(%arg33 : memref<!tpu.dma_semaphore, #tpu.memory_space<semaphore_mem>>)
    %add3A_20 = arith.constant 80 : i32
    %add3A_21 = arith.addi %mul3A_4, %add3A_20 : i32
    %add3A_22 = arith.constant 320000 : i32
    %add3A_23 = arith.addi %add3A_22, %add3A_21 : i32
    %dma_start3A_24 = tpu.memref_slice %arg3[%add3A_23] : memref<640000xi32, #tpu.memory_space<hbm>> -> memref<40xi32, #tpu.memory_space<hbm>>
    %dma_start3A_25 = tpu.memref_slice %arg3[%add3A_23] : memref<640000xi32, #tpu.memory_space<hbm>> -> memref<40xi32, #tpu.memory_space<hbm>>
    tpu.enqueue_dma source(%dma_start3A_25 : memref<40xi32, #tpu.memory_space<hbm>>) target(%arg8 : memref<40xi32, #tpu.memory_space<vmem>>) target_semaphore(%arg34 : memref<!tpu.dma_semaphore, #tpu.memory_space<semaphore_mem>>)
    %dma_start3A_26 = tpu.memref_slice %arg3[%add3A_21] : memref<640000xi32, #tpu.memory_space<hbm>> -> memref<40xi32, #tpu.memory_space<hbm>>
    %dma_start3A_27 = tpu.memref_slice %arg3[%add3A_21] : memref<640000xi32, #tpu.memory_space<hbm>> -> memref<40xi32, #tpu.memory_space<hbm>>
    tpu.enqueue_dma source(%dma_start3A_27 : memref<40xi32, #tpu.memory_space<hbm>>) target(%arg13 : memref<40xi32, #tpu.memory_space<vmem>>) target_semaphore(%arg34 : memref<!tpu.dma_semaphore, #tpu.memory_space<semaphore_mem>>)
    %add3A_28 = arith.constant 120 : i32
    %add3A_29 = arith.addi %mul3A_4, %add3A_28 : i32
    %add3A_30 = arith.constant 320000 : i32
    %add3A_31 = arith.addi %add3A_30, %add3A_29 : i32
    %dma_start3A_32 = tpu.memref_slice %arg3[%add3A_31] : memref<640000xi32, #tpu.memory_space<hbm>> -> memref<40xi32, #tpu.memory_space<hbm>>
    %dma_start3A_33 = tpu.memref_slice %arg3[%add3A_31] : memref<640000xi32, #tpu.memory_space<hbm>> -> memref<40xi32, #tpu.memory_space<hbm>>
    tpu.enqueue_dma source(%dma_start3A_33 : memref<40xi32, #tpu.memory_space<hbm>>) target(%arg9 : memref<40xi32, #tpu.memory_space<vmem>>) target_semaphore(%arg35 : memref<!tpu.dma_semaphore, #tpu.memory_space<semaphore_mem>>)
    %dma_start3A_34 = tpu.memref_slice %arg3[%add3A_29] : memref<640000xi32, #tpu.memory_space<hbm>> -> memref<40xi32, #tpu.memory_space<hbm>>
    %dma_start3A_35 = tpu.memref_slice %arg3[%add3A_29] : memref<640000xi32, #tpu.memory_space<hbm>> -> memref<40xi32, #tpu.memory_space<hbm>>
    tpu.enqueue_dma source(%dma_start3A_35 : memref<40xi32, #tpu.memory_space<hbm>>) target(%arg14 : memref<40xi32, #tpu.memory_space<vmem>>) target_semaphore(%arg35 : memref<!tpu.dma_semaphore, #tpu.memory_space<semaphore_mem>>)
    %add3A_36 = arith.constant 160 : i32
    %add3A_37 = arith.addi %mul3A_4, %add3A_36 : i32
    %add3A_38 = arith.constant 320000 : i32
    %add3A_39 = arith.addi %add3A_38, %add3A_37 : i32
    %dma_start3A_40 = tpu.memref_slice %arg3[%add3A_39] : memref<640000xi32, #tpu.memory_space<hbm>> -> memref<40xi32, #tpu.memory_space<hbm>>
    %dma_start3A_41 = tpu.memref_slice %arg3[%add3A_39] : memref<640000xi32, #tpu.memory_space<hbm>> -> memref<40xi32, #tpu.memory_space<hbm>>
    tpu.enqueue_dma source(%dma_start3A_41 : memref<40xi32, #tpu.memory_space<hbm>>) target(%arg10 : memref<40xi32, #tpu.memory_space<vmem>>) target_semaphore(%arg36 : memref<!tpu.dma_semaphore, #tpu.memory_space<semaphore_mem>>)
    %dma_start3A_42 = tpu.memref_slice %arg3[%add3A_37] : memref<640000xi32, #tpu.memory_space<hbm>> -> memref<40xi32, #tpu.memory_space<hbm>>
    %dma_start3A_43 = tpu.memref_slice %arg3[%add3A_37] : memref<640000xi32, #tpu.memory_space<hbm>> -> memref<40xi32, #tpu.memory_space<hbm>>
    tpu.enqueue_dma source(%dma_start3A_43 : memref<40xi32, #tpu.memory_space<hbm>>) target(%arg15 : memref<40xi32, #tpu.memory_space<vmem>>) target_semaphore(%arg36 : memref<!tpu.dma_semaphore, #tpu.memory_space<semaphore_mem>>)
    %ne3A = arith.constant 15 : i32
    %ne3A_44 = arith.cmpi ne, %arg1, %ne3A : i32
    %convert_element_type3A = arith.extui %ne3A_44 : i1 to i32
    %cond3A = arith.constant 0 : i32
    %cond3A_45 = arith.cmpi ne, %convert_element_type3A, %cond3A : i32
    scf.if %cond3A_45 {
      %dma_start3A_315 = arith.constant 0 : i32
      %dma_start3A_316 = tpu.memref_slice %arg21[%mul3A_2, %dma_start3A_315] : memref<10000x128xf32, #tpu.memory_space<vmem_shared>> -> memref<624x128xf32, #tpu.memory_space<vmem_shared>>
      %dma_start3A_317 = arith.constant 0 : i32
      %dma_start3A_318 = tpu.memref_slice %arg4[%mul3A_2, %dma_start3A_317] : memref<10000x128xf32, #tpu.memory_space<hbm>> -> memref<624x128xf32, #tpu.memory_space<hbm>>
      tpu.enqueue_dma source(%dma_start3A_318 : memref<624x128xf32, #tpu.memory_space<hbm>>) target(%dma_start3A_316 : memref<624x128xf32, #tpu.memory_space<vmem_shared>>) target_semaphore(%arg37 : memref<!tpu.dma_semaphore, #tpu.memory_space<semaphore_mem>>)
    } else {
    }
    %eq3A = arith.constant 15 : i32
    %eq3A_46 = arith.cmpi eq, %arg1, %eq3A : i32
    %convert_element_type3A_47 = arith.extui %eq3A_46 : i1 to i32
    %cond3A_48 = arith.constant 0 : i32
    %cond3A_49 = arith.cmpi ne, %convert_element_type3A_47, %cond3A_48 : i32
    scf.if %cond3A_49 {
      %dma_start3A_315 = arith.constant 0 : i32
      %dma_start3A_316 = tpu.memref_slice %arg21[%mul3A_2, %dma_start3A_315] : memref<10000x128xf32, #tpu.memory_space<vmem_shared>> -> memref<640x128xf32, #tpu.memory_space<vmem_shared>>
      %dma_start3A_317 = arith.constant 0 : i32
      %dma_start3A_318 = tpu.memref_slice %arg4[%mul3A_2, %dma_start3A_317] : memref<10000x128xf32, #tpu.memory_space<hbm>> -> memref<640x128xf32, #tpu.memory_space<hbm>>
      tpu.enqueue_dma source(%dma_start3A_318 : memref<640x128xf32, #tpu.memory_space<hbm>>) target(%dma_start3A_316 : memref<640x128xf32, #tpu.memory_space<vmem_shared>>) target_semaphore(%arg37 : memref<!tpu.dma_semaphore, #tpu.memory_space<semaphore_mem>>)
    } else {
    }
    %dma_wait3A = arith.constant 0 : i32
    %dma_wait3A_50 = tpu.memref_slice %arg3[%dma_wait3A] : memref<640000xi32, #tpu.memory_space<hbm>> -> memref<40xi32, #tpu.memory_space<hbm>>
    %dma_wait3A_51 = arith.constant 0 : i32
    %dma_wait3A_52 = tpu.memref_slice %arg3[%dma_wait3A_51] : memref<640000xi32, #tpu.memory_space<hbm>> -> memref<40xi32, #tpu.memory_space<hbm>>
    tpu.wait_dma2 semaphore(%arg32 : memref<!tpu.dma_semaphore, #tpu.memory_space<semaphore_mem>>) src(%dma_wait3A_52 : memref<40xi32, #tpu.memory_space<hbm>>) dst(%arg6 : memref<40xi32, #tpu.memory_space<vmem>>)
    %dma_wait3A_53 = arith.constant 0 : i32
    %dma_wait3A_54 = tpu.memref_slice %arg3[%dma_wait3A_53] : memref<640000xi32, #tpu.memory_space<hbm>> -> memref<40xi32, #tpu.memory_space<hbm>>
    %dma_wait3A_55 = arith.constant 0 : i32
    %dma_wait3A_56 = tpu.memref_slice %arg3[%dma_wait3A_55] : memref<640000xi32, #tpu.memory_space<hbm>> -> memref<40xi32, #tpu.memory_space<hbm>>
    tpu.wait_dma2 semaphore(%arg32 : memref<!tpu.dma_semaphore, #tpu.memory_space<semaphore_mem>>) src(%dma_wait3A_56 : memref<40xi32, #tpu.memory_space<hbm>>) dst(%arg11 : memref<40xi32, #tpu.memory_space<vmem>>)
    %dma_start3A_57 = arith.constant 0 : i32
    %dma_start3A_58 = arith.constant 0 : i32
    %dma_start3A_59 = tpu.memref_slice %arg2[%dma_start3A_57, %dma_start3A_58] : memref<10000x128xf32, #tpu.memory_space<hbm>> -> memref<10000x128xf32, #tpu.memory_space<hbm>>
    tpu.enqueue_indirect_dma source(%dma_start3A_59 : memref<10000x128xf32, #tpu.memory_space<hbm>>) target(%arg16 : memref<40x128xf32, #tpu.memory_space<vmem>>) offsets(%arg6 : memref<40xi32, #tpu.memory_space<vmem>>) semaphore(%arg22 : memref<!tpu.dma_semaphore, #tpu.memory_space<semaphore_mem>>)
    %dma_wait3A_60 = arith.constant 0 : i32
    %dma_wait3A_61 = tpu.memref_slice %arg3[%dma_wait3A_60] : memref<640000xi32, #tpu.memory_space<hbm>> -> memref<40xi32, #tpu.memory_space<hbm>>
    %dma_wait3A_62 = arith.constant 0 : i32
    %dma_wait3A_63 = tpu.memref_slice %arg3[%dma_wait3A_62] : memref<640000xi32, #tpu.memory_space<hbm>> -> memref<40xi32, #tpu.memory_space<hbm>>
    tpu.wait_dma2 semaphore(%arg33 : memref<!tpu.dma_semaphore, #tpu.memory_space<semaphore_mem>>) src(%dma_wait3A_63 : memref<40xi32, #tpu.memory_space<hbm>>) dst(%arg7 : memref<40xi32, #tpu.memory_space<vmem>>)
    %dma_wait3A_64 = arith.constant 0 : i32
    %dma_wait3A_65 = tpu.memref_slice %arg3[%dma_wait3A_64] : memref<640000xi32, #tpu.memory_space<hbm>> -> memref<40xi32, #tpu.memory_space<hbm>>
    %dma_wait3A_66 = arith.constant 0 : i32
    %dma_wait3A_67 = tpu.memref_slice %arg3[%dma_wait3A_66] : memref<640000xi32, #tpu.memory_space<hbm>> -> memref<40xi32, #tpu.memory_space<hbm>>
    tpu.wait_dma2 semaphore(%arg33 : memref<!tpu.dma_semaphore, #tpu.memory_space<semaphore_mem>>) src(%dma_wait3A_67 : memref<40xi32, #tpu.memory_space<hbm>>) dst(%arg12 : memref<40xi32, #tpu.memory_space<vmem>>)
    %dma_start3A_68 = arith.constant 0 : i32
    %dma_start3A_69 = arith.constant 0 : i32
    %dma_start3A_70 = tpu.memref_slice %arg2[%dma_start3A_68, %dma_start3A_69] : memref<10000x128xf32, #tpu.memory_space<hbm>> -> memref<10000x128xf32, #tpu.memory_space<hbm>>
    tpu.enqueue_indirect_dma source(%dma_start3A_70 : memref<10000x128xf32, #tpu.memory_space<hbm>>) target(%arg17 : memref<40x128xf32, #tpu.memory_space<vmem>>) offsets(%arg7 : memref<40xi32, #tpu.memory_space<vmem>>) semaphore(%arg23 : memref<!tpu.dma_semaphore, #tpu.memory_space<semaphore_mem>>)
    %dma_wait3A_71 = arith.constant 0 : i32
    %dma_wait3A_72 = tpu.memref_slice %arg3[%dma_wait3A_71] : memref<640000xi32, #tpu.memory_space<hbm>> -> memref<40xi32, #tpu.memory_space<hbm>>
    %dma_wait3A_73 = arith.constant 0 : i32
    %dma_wait3A_74 = tpu.memref_slice %arg3[%dma_wait3A_73] : memref<640000xi32, #tpu.memory_space<hbm>> -> memref<40xi32, #tpu.memory_space<hbm>>
    tpu.wait_dma2 semaphore(%arg34 : memref<!tpu.dma_semaphore, #tpu.memory_space<semaphore_mem>>) src(%dma_wait3A_74 : memref<40xi32, #tpu.memory_space<hbm>>) dst(%arg8 : memref<40xi32, #tpu.memory_space<vmem>>)
    %dma_wait3A_75 = arith.constant 0 : i32
    %dma_wait3A_76 = tpu.memref_slice %arg3[%dma_wait3A_75] : memref<640000xi32, #tpu.memory_space<hbm>> -> memref<40xi32, #tpu.memory_space<hbm>>
    %dma_wait3A_77 = arith.constant 0 : i32
    %dma_wait3A_78 = tpu.memref_slice %arg3[%dma_wait3A_77] : memref<640000xi32, #tpu.memory_space<hbm>> -> memref<40xi32, #tpu.memory_space<hbm>>
    tpu.wait_dma2 semaphore(%arg34 : memref<!tpu.dma_semaphore, #tpu.memory_space<semaphore_mem>>) src(%dma_wait3A_78 : memref<40xi32, #tpu.memory_space<hbm>>) dst(%arg13 : memref<40xi32, #tpu.memory_space<vmem>>)
    %dma_start3A_79 = arith.constant 0 : i32
    %dma_start3A_80 = arith.constant 0 : i32
    %dma_start3A_81 = tpu.memref_slice %arg2[%dma_start3A_79, %dma_start3A_80] : memref<10000x128xf32, #tpu.memory_space<hbm>> -> memref<10000x128xf32, #tpu.memory_space<hbm>>
    tpu.enqueue_indirect_dma source(%dma_start3A_81 : memref<10000x128xf32, #tpu.memory_space<hbm>>) target(%arg18 : memref<40x128xf32, #tpu.memory_space<vmem>>) offsets(%arg8 : memref<40xi32, #tpu.memory_space<vmem>>) semaphore(%arg24 : memref<!tpu.dma_semaphore, #tpu.memory_space<semaphore_mem>>)
    %dma_wait3A_82 = arith.constant 0 : i32
    %dma_wait3A_83 = tpu.memref_slice %arg3[%dma_wait3A_82] : memref<640000xi32, #tpu.memory_space<hbm>> -> memref<40xi32, #tpu.memory_space<hbm>>
    %dma_wait3A_84 = arith.constant 0 : i32
    %dma_wait3A_85 = tpu.memref_slice %arg3[%dma_wait3A_84] : memref<640000xi32, #tpu.memory_space<hbm>> -> memref<40xi32, #tpu.memory_space<hbm>>
    tpu.wait_dma2 semaphore(%arg35 : memref<!tpu.dma_semaphore, #tpu.memory_space<semaphore_mem>>) src(%dma_wait3A_85 : memref<40xi32, #tpu.memory_space<hbm>>) dst(%arg9 : memref<40xi32, #tpu.memory_space<vmem>>)
    %dma_wait3A_86 = arith.constant 0 : i32
    %dma_wait3A_87 = tpu.memref_slice %arg3[%dma_wait3A_86] : memref<640000xi32, #tpu.memory_space<hbm>> -> memref<40xi32, #tpu.memory_space<hbm>>
    %dma_wait3A_88 = arith.constant 0 : i32
    %dma_wait3A_89 = tpu.memref_slice %arg3[%dma_wait3A_88] : memref<640000xi32, #tpu.memory_space<hbm>> -> memref<40xi32, #tpu.memory_space<hbm>>
    tpu.wait_dma2 semaphore(%arg35 : memref<!tpu.dma_semaphore, #tpu.memory_space<semaphore_mem>>) src(%dma_wait3A_89 : memref<40xi32, #tpu.memory_space<hbm>>) dst(%arg14 : memref<40xi32, #tpu.memory_space<vmem>>)
    %dma_start3A_90 = arith.constant 0 : i32
    %dma_start3A_91 = arith.constant 0 : i32
    %dma_start3A_92 = tpu.memref_slice %arg2[%dma_start3A_90, %dma_start3A_91] : memref<10000x128xf32, #tpu.memory_space<hbm>> -> memref<10000x128xf32, #tpu.memory_space<hbm>>
    tpu.enqueue_indirect_dma source(%dma_start3A_92 : memref<10000x128xf32, #tpu.memory_space<hbm>>) target(%arg19 : memref<40x128xf32, #tpu.memory_space<vmem>>) offsets(%arg9 : memref<40xi32, #tpu.memory_space<vmem>>) semaphore(%arg25 : memref<!tpu.dma_semaphore, #tpu.memory_space<semaphore_mem>>)
    %dma_wait3A_93 = arith.constant 0 : i32
    %dma_wait3A_94 = tpu.memref_slice %arg3[%dma_wait3A_93] : memref<640000xi32, #tpu.memory_space<hbm>> -> memref<40xi32, #tpu.memory_space<hbm>>
    %dma_wait3A_95 = arith.constant 0 : i32
    %dma_wait3A_96 = tpu.memref_slice %arg3[%dma_wait3A_95] : memref<640000xi32, #tpu.memory_space<hbm>> -> memref<40xi32, #tpu.memory_space<hbm>>
    tpu.wait_dma2 semaphore(%arg36 : memref<!tpu.dma_semaphore, #tpu.memory_space<semaphore_mem>>) src(%dma_wait3A_96 : memref<40xi32, #tpu.memory_space<hbm>>) dst(%arg10 : memref<40xi32, #tpu.memory_space<vmem>>)
    %dma_wait3A_97 = arith.constant 0 : i32
    %dma_wait3A_98 = tpu.memref_slice %arg3[%dma_wait3A_97] : memref<640000xi32, #tpu.memory_space<hbm>> -> memref<40xi32, #tpu.memory_space<hbm>>
    %dma_wait3A_99 = arith.constant 0 : i32
    %dma_wait3A_100 = tpu.memref_slice %arg3[%dma_wait3A_99] : memref<640000xi32, #tpu.memory_space<hbm>> -> memref<40xi32, #tpu.memory_space<hbm>>
    tpu.wait_dma2 semaphore(%arg36 : memref<!tpu.dma_semaphore, #tpu.memory_space<semaphore_mem>>) src(%dma_wait3A_100 : memref<40xi32, #tpu.memory_space<hbm>>) dst(%arg15 : memref<40xi32, #tpu.memory_space<vmem>>)
    %dma_start3A_101 = arith.constant 0 : i32
    %dma_start3A_102 = arith.constant 0 : i32
    %dma_start3A_103 = tpu.memref_slice %arg2[%dma_start3A_101, %dma_start3A_102] : memref<10000x128xf32, #tpu.memory_space<hbm>> -> memref<10000x128xf32, #tpu.memory_space<hbm>>
    tpu.enqueue_indirect_dma source(%dma_start3A_103 : memref<10000x128xf32, #tpu.memory_space<hbm>>) target(%arg20 : memref<40x128xf32, #tpu.memory_space<vmem>>) offsets(%arg10 : memref<40xi32, #tpu.memory_space<vmem>>) semaphore(%arg26 : memref<!tpu.dma_semaphore, #tpu.memory_space<semaphore_mem>>)
    %ne3A_104 = arith.constant 15 : i32
    %ne3A_105 = arith.cmpi ne, %arg1, %ne3A_104 : i32
    %convert_element_type3A_106 = arith.extui %ne3A_105 : i1 to i32
    %cond3A_107 = arith.constant 0 : i32
    %cond3A_108 = arith.cmpi ne, %convert_element_type3A_106, %cond3A_107 : i32
    scf.if %cond3A_108 {
      %dma_wait3A_315 = arith.constant 0 : i32
      %dma_wait3A_316 = tpu.memref_slice %arg21[%mul3A_2, %dma_wait3A_315] : memref<10000x128xf32, #tpu.memory_space<vmem_shared>> -> memref<624x128xf32, #tpu.memory_space<vmem_shared>>
      %dma_wait3A_317 = arith.constant 0 : i32
      %dma_wait3A_318 = tpu.memref_slice %arg4[%mul3A_2, %dma_wait3A_317] : memref<10000x128xf32, #tpu.memory_space<hbm>> -> memref<624x128xf32, #tpu.memory_space<hbm>>
      tpu.wait_dma2 semaphore(%arg37 : memref<!tpu.dma_semaphore, #tpu.memory_space<semaphore_mem>>) src(%dma_wait3A_318 : memref<624x128xf32, #tpu.memory_space<hbm>>) dst(%dma_wait3A_316 : memref<624x128xf32, #tpu.memory_space<vmem_shared>>)
    } else {
    }
    %eq3A_109 = arith.constant 15 : i32
    %eq3A_110 = arith.cmpi eq, %arg1, %eq3A_109 : i32
    %convert_element_type3A_111 = arith.extui %eq3A_110 : i1 to i32
    %cond3A_112 = arith.constant 0 : i32
    %cond3A_113 = arith.cmpi ne, %convert_element_type3A_111, %cond3A_112 : i32
    scf.if %cond3A_113 {
      %dma_wait3A_315 = arith.constant 0 : i32
      %dma_wait3A_316 = tpu.memref_slice %arg21[%mul3A_2, %dma_wait3A_315] : memref<10000x128xf32, #tpu.memory_space<vmem_shared>> -> memref<640x128xf32, #tpu.memory_space<vmem_shared>>
      %dma_wait3A_317 = arith.constant 0 : i32
      %dma_wait3A_318 = tpu.memref_slice %arg4[%mul3A_2, %dma_wait3A_317] : memref<10000x128xf32, #tpu.memory_space<hbm>> -> memref<640x128xf32, #tpu.memory_space<hbm>>
      tpu.wait_dma2 semaphore(%arg37 : memref<!tpu.dma_semaphore, #tpu.memory_space<semaphore_mem>>) src(%dma_wait3A_318 : memref<640x128xf32, #tpu.memory_space<hbm>>) dst(%dma_wait3A_316 : memref<640x128xf32, #tpu.memory_space<vmem_shared>>)
    } else {
    }
    %barrier3A = arith.constant 0 : index
    tpu.barrier barrier_id(%barrier3A)
    %dma_wait3A_114 = arith.constant 0 : i32
    %dma_wait3A_115 = arith.constant 0 : i32
    %dma_wait3A_116 = tpu.memref_slice %arg2[%dma_wait3A_114, %dma_wait3A_115] : memref<10000x128xf32, #tpu.memory_space<hbm>> -> memref<10000x128xf32, #tpu.memory_space<hbm>>
    tpu.wait_indirect_dma semaphore(%arg22 : memref<!tpu.dma_semaphore, #tpu.memory_space<semaphore_mem>>) src(%dma_wait3A_116 : memref<10000x128xf32, #tpu.memory_space<hbm>>) dst(%arg16 : memref<40x128xf32, #tpu.memory_space<vmem>>)
    %dma_start3A_117 = arith.constant 0 : i32
    %dma_start3A_118 = arith.constant 0 : i32
    %dma_start3A_119 = tpu.memref_slice %arg21[%dma_start3A_117, %dma_start3A_118] : memref<10000x128xf32, #tpu.memory_space<vmem_shared>> -> memref<10000x128xf32, #tpu.memory_space<vmem_shared>>
    tpu.enqueue_indirect_dma source(%arg16 : memref<40x128xf32, #tpu.memory_space<vmem>>) target(%dma_start3A_119 : memref<10000x128xf32, #tpu.memory_space<vmem_shared>>) offsets(%arg11 : memref<40xi32, #tpu.memory_space<vmem>>) semaphore(%arg27 : memref<!tpu.dma_semaphore, #tpu.memory_space<semaphore_mem>>) {add = true}
    %add3A_120 = arith.constant 200 : i32
    %add3A_121 = arith.addi %mul3A_4, %add3A_120 : i32
    %add3A_122 = arith.constant 320000 : i32
    %add3A_123 = arith.addi %add3A_122, %add3A_121 : i32
    %dma_start3A_124 = tpu.memref_slice %arg3[%add3A_123] : memref<640000xi32, #tpu.memory_space<hbm>> -> memref<40xi32, #tpu.memory_space<hbm>>
    %dma_start3A_125 = tpu.memref_slice %arg3[%add3A_123] : memref<640000xi32, #tpu.memory_space<hbm>> -> memref<40xi32, #tpu.memory_space<hbm>>
    tpu.enqueue_dma source(%dma_start3A_125 : memref<40xi32, #tpu.memory_space<hbm>>) target(%arg6 : memref<40xi32, #tpu.memory_space<vmem>>) target_semaphore(%arg32 : memref<!tpu.dma_semaphore, #tpu.memory_space<semaphore_mem>>)
    %dma_start3A_126 = tpu.memref_slice %arg3[%add3A_121] : memref<640000xi32, #tpu.memory_space<hbm>> -> memref<40xi32, #tpu.memory_space<hbm>>
    %dma_start3A_127 = tpu.memref_slice %arg3[%add3A_121] : memref<640000xi32, #tpu.memory_space<hbm>> -> memref<40xi32, #tpu.memory_space<hbm>>
    tpu.enqueue_dma source(%dma_start3A_127 : memref<40xi32, #tpu.memory_space<hbm>>) target(%arg11 : memref<40xi32, #tpu.memory_space<vmem>>) target_semaphore(%arg32 : memref<!tpu.dma_semaphore, #tpu.memory_space<semaphore_mem>>)
    %dma_wait3A_128 = arith.constant 0 : i32
    %dma_wait3A_129 = arith.constant 0 : i32
    %dma_wait3A_130 = tpu.memref_slice %arg2[%dma_wait3A_128, %dma_wait3A_129] : memref<10000x128xf32, #tpu.memory_space<hbm>> -> memref<10000x128xf32, #tpu.memory_space<hbm>>
    tpu.wait_indirect_dma semaphore(%arg23 : memref<!tpu.dma_semaphore, #tpu.memory_space<semaphore_mem>>) src(%dma_wait3A_130 : memref<10000x128xf32, #tpu.memory_space<hbm>>) dst(%arg17 : memref<40x128xf32, #tpu.memory_space<vmem>>)
    %dma_start3A_131 = arith.constant 0 : i32
    %dma_start3A_132 = arith.constant 0 : i32
    %dma_start3A_133 = tpu.memref_slice %arg21[%dma_start3A_131, %dma_start3A_132] : memref<10000x128xf32, #tpu.memory_space<vmem_shared>> -> memref<10000x128xf32, #tpu.memory_space<vmem_shared>>
    tpu.enqueue_indirect_dma source(%arg17 : memref<40x128xf32, #tpu.memory_space<vmem>>) target(%dma_start3A_133 : memref<10000x128xf32, #tpu.memory_space<vmem_shared>>) offsets(%arg12 : memref<40xi32, #tpu.memory_space<vmem>>) semaphore(%arg28 : memref<!tpu.dma_semaphore, #tpu.memory_space<semaphore_mem>>) {add = true}
    %add3A_134 = arith.constant 240 : i32
    %add3A_135 = arith.addi %mul3A_4, %add3A_134 : i32
    %add3A_136 = arith.constant 320000 : i32
    %add3A_137 = arith.addi %add3A_136, %add3A_135 : i32
    %dma_start3A_138 = tpu.memref_slice %arg3[%add3A_137] : memref<640000xi32, #tpu.memory_space<hbm>> -> memref<40xi32, #tpu.memory_space<hbm>>
    %dma_start3A_139 = tpu.memref_slice %arg3[%add3A_137] : memref<640000xi32, #tpu.memory_space<hbm>> -> memref<40xi32, #tpu.memory_space<hbm>>
    tpu.enqueue_dma source(%dma_start3A_139 : memref<40xi32, #tpu.memory_space<hbm>>) target(%arg7 : memref<40xi32, #tpu.memory_space<vmem>>) target_semaphore(%arg33 : memref<!tpu.dma_semaphore, #tpu.memory_space<semaphore_mem>>)
    %dma_start3A_140 = tpu.memref_slice %arg3[%add3A_135] : memref<640000xi32, #tpu.memory_space<hbm>> -> memref<40xi32, #tpu.memory_space<hbm>>
    %dma_start3A_141 = tpu.memref_slice %arg3[%add3A_135] : memref<640000xi32, #tpu.memory_space<hbm>> -> memref<40xi32, #tpu.memory_space<hbm>>
    tpu.enqueue_dma source(%dma_start3A_141 : memref<40xi32, #tpu.memory_space<hbm>>) target(%arg12 : memref<40xi32, #tpu.memory_space<vmem>>) target_semaphore(%arg33 : memref<!tpu.dma_semaphore, #tpu.memory_space<semaphore_mem>>)
    %dma_wait3A_142 = arith.constant 0 : i32
    %dma_wait3A_143 = arith.constant 0 : i32
    %dma_wait3A_144 = tpu.memref_slice %arg2[%dma_wait3A_142, %dma_wait3A_143] : memref<10000x128xf32, #tpu.memory_space<hbm>> -> memref<10000x128xf32, #tpu.memory_space<hbm>>
    tpu.wait_indirect_dma semaphore(%arg24 : memref<!tpu.dma_semaphore, #tpu.memory_space<semaphore_mem>>) src(%dma_wait3A_144 : memref<10000x128xf32, #tpu.memory_space<hbm>>) dst(%arg18 : memref<40x128xf32, #tpu.memory_space<vmem>>)
    %dma_start3A_145 = arith.constant 0 : i32
    %dma_start3A_146 = arith.constant 0 : i32
    %dma_start3A_147 = tpu.memref_slice %arg21[%dma_start3A_145, %dma_start3A_146] : memref<10000x128xf32, #tpu.memory_space<vmem_shared>> -> memref<10000x128xf32, #tpu.memory_space<vmem_shared>>
    tpu.enqueue_indirect_dma source(%arg18 : memref<40x128xf32, #tpu.memory_space<vmem>>) target(%dma_start3A_147 : memref<10000x128xf32, #tpu.memory_space<vmem_shared>>) offsets(%arg13 : memref<40xi32, #tpu.memory_space<vmem>>) semaphore(%arg29 : memref<!tpu.dma_semaphore, #tpu.memory_space<semaphore_mem>>) {add = true}
    %add3A_148 = arith.constant 280 : i32
    %add3A_149 = arith.addi %mul3A_4, %add3A_148 : i32
    %add3A_150 = arith.constant 320000 : i32
    %add3A_151 = arith.addi %add3A_150, %add3A_149 : i32
    %dma_start3A_152 = tpu.memref_slice %arg3[%add3A_151] : memref<640000xi32, #tpu.memory_space<hbm>> -> memref<40xi32, #tpu.memory_space<hbm>>
    %dma_start3A_153 = tpu.memref_slice %arg3[%add3A_151] : memref<640000xi32, #tpu.memory_space<hbm>> -> memref<40xi32, #tpu.memory_space<hbm>>
    tpu.enqueue_dma source(%dma_start3A_153 : memref<40xi32, #tpu.memory_space<hbm>>) target(%arg8 : memref<40xi32, #tpu.memory_space<vmem>>) target_semaphore(%arg34 : memref<!tpu.dma_semaphore, #tpu.memory_space<semaphore_mem>>)
    %dma_start3A_154 = tpu.memref_slice %arg3[%add3A_149] : memref<640000xi32, #tpu.memory_space<hbm>> -> memref<40xi32, #tpu.memory_space<hbm>>
    %dma_start3A_155 = tpu.memref_slice %arg3[%add3A_149] : memref<640000xi32, #tpu.memory_space<hbm>> -> memref<40xi32, #tpu.memory_space<hbm>>
    tpu.enqueue_dma source(%dma_start3A_155 : memref<40xi32, #tpu.memory_space<hbm>>) target(%arg13 : memref<40xi32, #tpu.memory_space<vmem>>) target_semaphore(%arg34 : memref<!tpu.dma_semaphore, #tpu.memory_space<semaphore_mem>>)
    %dma_wait3A_156 = arith.constant 0 : i32
    %dma_wait3A_157 = arith.constant 0 : i32
    %dma_wait3A_158 = tpu.memref_slice %arg2[%dma_wait3A_156, %dma_wait3A_157] : memref<10000x128xf32, #tpu.memory_space<hbm>> -> memref<10000x128xf32, #tpu.memory_space<hbm>>
    tpu.wait_indirect_dma semaphore(%arg25 : memref<!tpu.dma_semaphore, #tpu.memory_space<semaphore_mem>>) src(%dma_wait3A_158 : memref<10000x128xf32, #tpu.memory_space<hbm>>) dst(%arg19 : memref<40x128xf32, #tpu.memory_space<vmem>>)
    %dma_start3A_159 = arith.constant 0 : i32
    %dma_start3A_160 = arith.constant 0 : i32
    %dma_start3A_161 = tpu.memref_slice %arg21[%dma_start3A_159, %dma_start3A_160] : memref<10000x128xf32, #tpu.memory_space<vmem_shared>> -> memref<10000x128xf32, #tpu.memory_space<vmem_shared>>
    tpu.enqueue_indirect_dma source(%arg19 : memref<40x128xf32, #tpu.memory_space<vmem>>) target(%dma_start3A_161 : memref<10000x128xf32, #tpu.memory_space<vmem_shared>>) offsets(%arg14 : memref<40xi32, #tpu.memory_space<vmem>>) semaphore(%arg30 : memref<!tpu.dma_semaphore, #tpu.memory_space<semaphore_mem>>) {add = true}
    %add3A_162 = arith.constant 320 : i32
    %add3A_163 = arith.addi %mul3A_4, %add3A_162 : i32
    %add3A_164 = arith.constant 320000 : i32
    %add3A_165 = arith.addi %add3A_164, %add3A_163 : i32
    %dma_start3A_166 = tpu.memref_slice %arg3[%add3A_165] : memref<640000xi32, #tpu.memory_space<hbm>> -> memref<40xi32, #tpu.memory_space<hbm>>
    %dma_start3A_167 = tpu.memref_slice %arg3[%add3A_165] : memref<640000xi32, #tpu.memory_space<hbm>> -> memref<40xi32, #tpu.memory_space<hbm>>
    tpu.enqueue_dma source(%dma_start3A_167 : memref<40xi32, #tpu.memory_space<hbm>>) target(%arg9 : memref<40xi32, #tpu.memory_space<vmem>>) target_semaphore(%arg35 : memref<!tpu.dma_semaphore, #tpu.memory_space<semaphore_mem>>)
    %dma_start3A_168 = tpu.memref_slice %arg3[%add3A_163] : memref<640000xi32, #tpu.memory_space<hbm>> -> memref<40xi32, #tpu.memory_space<hbm>>
    %dma_start3A_169 = tpu.memref_slice %arg3[%add3A_163] : memref<640000xi32, #tpu.memory_space<hbm>> -> memref<40xi32, #tpu.memory_space<hbm>>
    tpu.enqueue_dma source(%dma_start3A_169 : memref<40xi32, #tpu.memory_space<hbm>>) target(%arg14 : memref<40xi32, #tpu.memory_space<vmem>>) target_semaphore(%arg35 : memref<!tpu.dma_semaphore, #tpu.memory_space<semaphore_mem>>)
    %dma_wait3A_170 = arith.constant 0 : i32
    %dma_wait3A_171 = arith.constant 0 : i32
    %dma_wait3A_172 = tpu.memref_slice %arg2[%dma_wait3A_170, %dma_wait3A_171] : memref<10000x128xf32, #tpu.memory_space<hbm>> -> memref<10000x128xf32, #tpu.memory_space<hbm>>
    tpu.wait_indirect_dma semaphore(%arg26 : memref<!tpu.dma_semaphore, #tpu.memory_space<semaphore_mem>>) src(%dma_wait3A_172 : memref<10000x128xf32, #tpu.memory_space<hbm>>) dst(%arg20 : memref<40x128xf32, #tpu.memory_space<vmem>>)
    %dma_start3A_173 = arith.constant 0 : i32
    %dma_start3A_174 = arith.constant 0 : i32
    %dma_start3A_175 = tpu.memref_slice %arg21[%dma_start3A_173, %dma_start3A_174] : memref<10000x128xf32, #tpu.memory_space<vmem_shared>> -> memref<10000x128xf32, #tpu.memory_space<vmem_shared>>
    tpu.enqueue_indirect_dma source(%arg20 : memref<40x128xf32, #tpu.memory_space<vmem>>) target(%dma_start3A_175 : memref<10000x128xf32, #tpu.memory_space<vmem_shared>>) offsets(%arg15 : memref<40xi32, #tpu.memory_space<vmem>>) semaphore(%arg31 : memref<!tpu.dma_semaphore, #tpu.memory_space<semaphore_mem>>) {add = true}
    %add3A_176 = arith.constant 360 : i32
    %add3A_177 = arith.addi %mul3A_4, %add3A_176 : i32
    %add3A_178 = arith.constant 320000 : i32
    %add3A_179 = arith.addi %add3A_178, %add3A_177 : i32
    %dma_start3A_180 = tpu.memref_slice %arg3[%add3A_179] : memref<640000xi32, #tpu.memory_space<hbm>> -> memref<40xi32, #tpu.memory_space<hbm>>
    %dma_start3A_181 = tpu.memref_slice %arg3[%add3A_179] : memref<640000xi32, #tpu.memory_space<hbm>> -> memref<40xi32, #tpu.memory_space<hbm>>
    tpu.enqueue_dma source(%dma_start3A_181 : memref<40xi32, #tpu.memory_space<hbm>>) target(%arg10 : memref<40xi32, #tpu.memory_space<vmem>>) target_semaphore(%arg36 : memref<!tpu.dma_semaphore, #tpu.memory_space<semaphore_mem>>)
    %dma_start3A_182 = tpu.memref_slice %arg3[%add3A_177] : memref<640000xi32, #tpu.memory_space<hbm>> -> memref<40xi32, #tpu.memory_space<hbm>>
    %dma_start3A_183 = tpu.memref_slice %arg3[%add3A_177] : memref<640000xi32, #tpu.memory_space<hbm>> -> memref<40xi32, #tpu.memory_space<hbm>>
    tpu.enqueue_dma source(%dma_start3A_183 : memref<40xi32, #tpu.memory_space<hbm>>) target(%arg15 : memref<40xi32, #tpu.memory_space<vmem>>) target_semaphore(%arg36 : memref<!tpu.dma_semaphore, #tpu.memory_space<semaphore_mem>>)
    %scan3A = arith.constant 0 : i32
    %scan3A_184 = arith.constant 1 : i32
    %scan3A_185 = arith.constant 48 : i32
    %scan3A_186 = arith.addi %scan3A_184, %scan3A_185 : i32
    %scan3A_187 = arith.constant 1 : i32
    scf.for %scan3A_315 = %scan3A_184 to %scan3A_186 step %scan3A_187  : i32 {
      %mul3A_316 = arith.constant 5 : i32
      %mul3A_317 = arith.muli %scan3A_315, %mul3A_316 : i32
      %dma_wait3A_318 = arith.constant 0 : i32
      %dma_wait3A_319 = arith.constant 0 : i32
      %dma_wait3A_320 = tpu.memref_slice %arg21[%dma_wait3A_318, %dma_wait3A_319] : memref<10000x128xf32, #tpu.memory_space<vmem_shared>> -> memref<10000x128xf32, #tpu.memory_space<vmem_shared>>
      tpu.wait_indirect_dma semaphore(%arg27 : memref<!tpu.dma_semaphore, #tpu.memory_space<semaphore_mem>>) src(%arg16 : memref<40x128xf32, #tpu.memory_space<vmem>>) dst(%dma_wait3A_320 : memref<10000x128xf32, #tpu.memory_space<vmem_shared>>)
      %dma_wait3A_321 = arith.constant 0 : i32
      %dma_wait3A_322 = tpu.memref_slice %arg3[%dma_wait3A_321] : memref<640000xi32, #tpu.memory_space<hbm>> -> memref<40xi32, #tpu.memory_space<hbm>>
      %dma_wait3A_323 = arith.constant 0 : i32
      %dma_wait3A_324 = tpu.memref_slice %arg3[%dma_wait3A_323] : memref<640000xi32, #tpu.memory_space<hbm>> -> memref<40xi32, #tpu.memory_space<hbm>>
      tpu.wait_dma2 semaphore(%arg32 : memref<!tpu.dma_semaphore, #tpu.memory_space<semaphore_mem>>) src(%dma_wait3A_324 : memref<40xi32, #tpu.memory_space<hbm>>) dst(%arg6 : memref<40xi32, #tpu.memory_space<vmem>>)
      %dma_wait3A_325 = arith.constant 0 : i32
      %dma_wait3A_326 = tpu.memref_slice %arg3[%dma_wait3A_325] : memref<640000xi32, #tpu.memory_space<hbm>> -> memref<40xi32, #tpu.memory_space<hbm>>
      %dma_wait3A_327 = arith.constant 0 : i32
      %dma_wait3A_328 = tpu.memref_slice %arg3[%dma_wait3A_327] : memref<640000xi32, #tpu.memory_space<hbm>> -> memref<40xi32, #tpu.memory_space<hbm>>
      tpu.wait_dma2 semaphore(%arg32 : memref<!tpu.dma_semaphore, #tpu.memory_space<semaphore_mem>>) src(%dma_wait3A_328 : memref<40xi32, #tpu.memory_space<hbm>>) dst(%arg11 : memref<40xi32, #tpu.memory_space<vmem>>)
      %dma_start3A_329 = arith.constant 0 : i32
      %dma_start3A_330 = arith.constant 0 : i32
      %dma_start3A_331 = tpu.memref_slice %arg2[%dma_start3A_329, %dma_start3A_330] : memref<10000x128xf32, #tpu.memory_space<hbm>> -> memref<10000x128xf32, #tpu.memory_space<hbm>>
      tpu.enqueue_indirect_dma source(%dma_start3A_331 : memref<10000x128xf32, #tpu.memory_space<hbm>>) target(%arg16 : memref<40x128xf32, #tpu.memory_space<vmem>>) offsets(%arg6 : memref<40xi32, #tpu.memory_space<vmem>>) semaphore(%arg22 : memref<!tpu.dma_semaphore, #tpu.memory_space<semaphore_mem>>)
      %dma_wait3A_332 = arith.constant 0 : i32
      %dma_wait3A_333 = arith.constant 0 : i32
      %dma_wait3A_334 = tpu.memref_slice %arg21[%dma_wait3A_332, %dma_wait3A_333] : memref<10000x128xf32, #tpu.memory_space<vmem_shared>> -> memref<10000x128xf32, #tpu.memory_space<vmem_shared>>
      tpu.wait_indirect_dma semaphore(%arg28 : memref<!tpu.dma_semaphore, #tpu.memory_space<semaphore_mem>>) src(%arg17 : memref<40x128xf32, #tpu.memory_space<vmem>>) dst(%dma_wait3A_334 : memref<10000x128xf32, #tpu.memory_space<vmem_shared>>)
      %dma_wait3A_335 = arith.constant 0 : i32
      %dma_wait3A_336 = tpu.memref_slice %arg3[%dma_wait3A_335] : memref<640000xi32, #tpu.memory_space<hbm>> -> memref<40xi32, #tpu.memory_space<hbm>>
      %dma_wait3A_337 = arith.constant 0 : i32
      %dma_wait3A_338 = tpu.memref_slice %arg3[%dma_wait3A_337] : memref<640000xi32, #tpu.memory_space<hbm>> -> memref<40xi32, #tpu.memory_space<hbm>>
      tpu.wait_dma2 semaphore(%arg33 : memref<!tpu.dma_semaphore, #tpu.memory_space<semaphore_mem>>) src(%dma_wait3A_338 : memref<40xi32, #tpu.memory_space<hbm>>) dst(%arg7 : memref<40xi32, #tpu.memory_space<vmem>>)
      %dma_wait3A_339 = arith.constant 0 : i32
      %dma_wait3A_340 = tpu.memref_slice %arg3[%dma_wait3A_339] : memref<640000xi32, #tpu.memory_space<hbm>> -> memref<40xi32, #tpu.memory_space<hbm>>
      %dma_wait3A_341 = arith.constant 0 : i32
      %dma_wait3A_342 = tpu.memref_slice %arg3[%dma_wait3A_341] : memref<640000xi32, #tpu.memory_space<hbm>> -> memref<40xi32, #tpu.memory_space<hbm>>
      tpu.wait_dma2 semaphore(%arg33 : memref<!tpu.dma_semaphore, #tpu.memory_space<semaphore_mem>>) src(%dma_wait3A_342 : memref<40xi32, #tpu.memory_space<hbm>>) dst(%arg12 : memref<40xi32, #tpu.memory_space<vmem>>)
      %dma_start3A_343 = arith.constant 0 : i32
      %dma_start3A_344 = arith.constant 0 : i32
      %dma_start3A_345 = tpu.memref_slice %arg2[%dma_start3A_343, %dma_start3A_344] : memref<10000x128xf32, #tpu.memory_space<hbm>> -> memref<10000x128xf32, #tpu.memory_space<hbm>>
      tpu.enqueue_indirect_dma source(%dma_start3A_345 : memref<10000x128xf32, #tpu.memory_space<hbm>>) target(%arg17 : memref<40x128xf32, #tpu.memory_space<vmem>>) offsets(%arg7 : memref<40xi32, #tpu.memory_space<vmem>>) semaphore(%arg23 : memref<!tpu.dma_semaphore, #tpu.memory_space<semaphore_mem>>)
      %dma_wait3A_346 = arith.constant 0 : i32
      %dma_wait3A_347 = arith.constant 0 : i32
      %dma_wait3A_348 = tpu.memref_slice %arg21[%dma_wait3A_346, %dma_wait3A_347] : memref<10000x128xf32, #tpu.memory_space<vmem_shared>> -> memref<10000x128xf32, #tpu.memory_space<vmem_shared>>
      tpu.wait_indirect_dma semaphore(%arg29 : memref<!tpu.dma_semaphore, #tpu.memory_space<semaphore_mem>>) src(%arg18 : memref<40x128xf32, #tpu.memory_space<vmem>>) dst(%dma_wait3A_348 : memref<10000x128xf32, #tpu.memory_space<vmem_shared>>)
      %dma_wait3A_349 = arith.constant 0 : i32
      %dma_wait3A_350 = tpu.memref_slice %arg3[%dma_wait3A_349] : memref<640000xi32, #tpu.memory_space<hbm>> -> memref<40xi32, #tpu.memory_space<hbm>>
      %dma_wait3A_351 = arith.constant 0 : i32
      %dma_wait3A_352 = tpu.memref_slice %arg3[%dma_wait3A_351] : memref<640000xi32, #tpu.memory_space<hbm>> -> memref<40xi32, #tpu.memory_space<hbm>>
      tpu.wait_dma2 semaphore(%arg34 : memref<!tpu.dma_semaphore, #tpu.memory_space<semaphore_mem>>) src(%dma_wait3A_352 : memref<40xi32, #tpu.memory_space<hbm>>) dst(%arg8 : memref<40xi32, #tpu.memory_space<vmem>>)
      %dma_wait3A_353 = arith.constant 0 : i32
      %dma_wait3A_354 = tpu.memref_slice %arg3[%dma_wait3A_353] : memref<640000xi32, #tpu.memory_space<hbm>> -> memref<40xi32, #tpu.memory_space<hbm>>
      %dma_wait3A_355 = arith.constant 0 : i32
      %dma_wait3A_356 = tpu.memref_slice %arg3[%dma_wait3A_355] : memref<640000xi32, #tpu.memory_space<hbm>> -> memref<40xi32, #tpu.memory_space<hbm>>
      tpu.wait_dma2 semaphore(%arg34 : memref<!tpu.dma_semaphore, #tpu.memory_space<semaphore_mem>>) src(%dma_wait3A_356 : memref<40xi32, #tpu.memory_space<hbm>>) dst(%arg13 : memref<40xi32, #tpu.memory_space<vmem>>)
      %dma_start3A_357 = arith.constant 0 : i32
      %dma_start3A_358 = arith.constant 0 : i32
      %dma_start3A_359 = tpu.memref_slice %arg2[%dma_start3A_357, %dma_start3A_358] : memref<10000x128xf32, #tpu.memory_space<hbm>> -> memref<10000x128xf32, #tpu.memory_space<hbm>>
      tpu.enqueue_indirect_dma source(%dma_start3A_359 : memref<10000x128xf32, #tpu.memory_space<hbm>>) target(%arg18 : memref<40x128xf32, #tpu.memory_space<vmem>>) offsets(%arg8 : memref<40xi32, #tpu.memory_space<vmem>>) semaphore(%arg24 : memref<!tpu.dma_semaphore, #tpu.memory_space<semaphore_mem>>)
      %dma_wait3A_360 = arith.constant 0 : i32
      %dma_wait3A_361 = arith.constant 0 : i32
      %dma_wait3A_362 = tpu.memref_slice %arg21[%dma_wait3A_360, %dma_wait3A_361] : memref<10000x128xf32, #tpu.memory_space<vmem_shared>> -> memref<10000x128xf32, #tpu.memory_space<vmem_shared>>
      tpu.wait_indirect_dma semaphore(%arg30 : memref<!tpu.dma_semaphore, #tpu.memory_space<semaphore_mem>>) src(%arg19 : memref<40x128xf32, #tpu.memory_space<vmem>>) dst(%dma_wait3A_362 : memref<10000x128xf32, #tpu.memory_space<vmem_shared>>)
      %dma_wait3A_363 = arith.constant 0 : i32
      %dma_wait3A_364 = tpu.memref_slice %arg3[%dma_wait3A_363] : memref<640000xi32, #tpu.memory_space<hbm>> -> memref<40xi32, #tpu.memory_space<hbm>>
      %dma_wait3A_365 = arith.constant 0 : i32
      %dma_wait3A_366 = tpu.memref_slice %arg3[%dma_wait3A_365] : memref<640000xi32, #tpu.memory_space<hbm>> -> memref<40xi32, #tpu.memory_space<hbm>>
      tpu.wait_dma2 semaphore(%arg35 : memref<!tpu.dma_semaphore, #tpu.memory_space<semaphore_mem>>) src(%dma_wait3A_366 : memref<40xi32, #tpu.memory_space<hbm>>) dst(%arg9 : memref<40xi32, #tpu.memory_space<vmem>>)
      %dma_wait3A_367 = arith.constant 0 : i32
      %dma_wait3A_368 = tpu.memref_slice %arg3[%dma_wait3A_367] : memref<640000xi32, #tpu.memory_space<hbm>> -> memref<40xi32, #tpu.memory_space<hbm>>
      %dma_wait3A_369 = arith.constant 0 : i32
      %dma_wait3A_370 = tpu.memref_slice %arg3[%dma_wait3A_369] : memref<640000xi32, #tpu.memory_space<hbm>> -> memref<40xi32, #tpu.memory_space<hbm>>
      tpu.wait_dma2 semaphore(%arg35 : memref<!tpu.dma_semaphore, #tpu.memory_space<semaphore_mem>>) src(%dma_wait3A_370 : memref<40xi32, #tpu.memory_space<hbm>>) dst(%arg14 : memref<40xi32, #tpu.memory_space<vmem>>)
      %dma_start3A_371 = arith.constant 0 : i32
      %dma_start3A_372 = arith.constant 0 : i32
      %dma_start3A_373 = tpu.memref_slice %arg2[%dma_start3A_371, %dma_start3A_372] : memref<10000x128xf32, #tpu.memory_space<hbm>> -> memref<10000x128xf32, #tpu.memory_space<hbm>>
      tpu.enqueue_indirect_dma source(%dma_start3A_373 : memref<10000x128xf32, #tpu.memory_space<hbm>>) target(%arg19 : memref<40x128xf32, #tpu.memory_space<vmem>>) offsets(%arg9 : memref<40xi32, #tpu.memory_space<vmem>>) semaphore(%arg25 : memref<!tpu.dma_semaphore, #tpu.memory_space<semaphore_mem>>)
      %dma_wait3A_374 = arith.constant 0 : i32
      %dma_wait3A_375 = arith.constant 0 : i32
      %dma_wait3A_376 = tpu.memref_slice %arg21[%dma_wait3A_374, %dma_wait3A_375] : memref<10000x128xf32, #tpu.memory_space<vmem_shared>> -> memref<10000x128xf32, #tpu.memory_space<vmem_shared>>
      tpu.wait_indirect_dma semaphore(%arg31 : memref<!tpu.dma_semaphore, #tpu.memory_space<semaphore_mem>>) src(%arg20 : memref<40x128xf32, #tpu.memory_space<vmem>>) dst(%dma_wait3A_376 : memref<10000x128xf32, #tpu.memory_space<vmem_shared>>)
      %dma_wait3A_377 = arith.constant 0 : i32
      %dma_wait3A_378 = tpu.memref_slice %arg3[%dma_wait3A_377] : memref<640000xi32, #tpu.memory_space<hbm>> -> memref<40xi32, #tpu.memory_space<hbm>>
      %dma_wait3A_379 = arith.constant 0 : i32
      %dma_wait3A_380 = tpu.memref_slice %arg3[%dma_wait3A_379] : memref<640000xi32, #tpu.memory_space<hbm>> -> memref<40xi32, #tpu.memory_space<hbm>>
      tpu.wait_dma2 semaphore(%arg36 : memref<!tpu.dma_semaphore, #tpu.memory_space<semaphore_mem>>) src(%dma_wait3A_380 : memref<40xi32, #tpu.memory_space<hbm>>) dst(%arg10 : memref<40xi32, #tpu.memory_space<vmem>>)
      %dma_wait3A_381 = arith.constant 0 : i32
      %dma_wait3A_382 = tpu.memref_slice %arg3[%dma_wait3A_381] : memref<640000xi32, #tpu.memory_space<hbm>> -> memref<40xi32, #tpu.memory_space<hbm>>
      %dma_wait3A_383 = arith.constant 0 : i32
      %dma_wait3A_384 = tpu.memref_slice %arg3[%dma_wait3A_383] : memref<640000xi32, #tpu.memory_space<hbm>> -> memref<40xi32, #tpu.memory_space<hbm>>
      tpu.wait_dma2 semaphore(%arg36 : memref<!tpu.dma_semaphore, #tpu.memory_space<semaphore_mem>>) src(%dma_wait3A_384 : memref<40xi32, #tpu.memory_space<hbm>>) dst(%arg15 : memref<40xi32, #tpu.memory_space<vmem>>)
      %dma_start3A_385 = arith.constant 0 : i32
      %dma_start3A_386 = arith.constant 0 : i32
      %dma_start3A_387 = tpu.memref_slice %arg2[%dma_start3A_385, %dma_start3A_386] : memref<10000x128xf32, #tpu.memory_space<hbm>> -> memref<10000x128xf32, #tpu.memory_space<hbm>>
      tpu.enqueue_indirect_dma source(%dma_start3A_387 : memref<10000x128xf32, #tpu.memory_space<hbm>>) target(%arg20 : memref<40x128xf32, #tpu.memory_space<vmem>>) offsets(%arg10 : memref<40xi32, #tpu.memory_space<vmem>>) semaphore(%arg26 : memref<!tpu.dma_semaphore, #tpu.memory_space<semaphore_mem>>)
      %dma_wait3A_388 = arith.constant 0 : i32
      %dma_wait3A_389 = arith.constant 0 : i32
      %dma_wait3A_390 = tpu.memref_slice %arg2[%dma_wait3A_388, %dma_wait3A_389] : memref<10000x128xf32, #tpu.memory_space<hbm>> -> memref<10000x128xf32, #tpu.memory_space<hbm>>
      tpu.wait_indirect_dma semaphore(%arg22 : memref<!tpu.dma_semaphore, #tpu.memory_space<semaphore_mem>>) src(%dma_wait3A_390 : memref<10000x128xf32, #tpu.memory_space<hbm>>) dst(%arg16 : memref<40x128xf32, #tpu.memory_space<vmem>>)
      %dma_start3A_391 = arith.constant 0 : i32
      %dma_start3A_392 = arith.constant 0 : i32
      %dma_start3A_393 = tpu.memref_slice %arg21[%dma_start3A_391, %dma_start3A_392] : memref<10000x128xf32, #tpu.memory_space<vmem_shared>> -> memref<10000x128xf32, #tpu.memory_space<vmem_shared>>
      tpu.enqueue_indirect_dma source(%arg16 : memref<40x128xf32, #tpu.memory_space<vmem>>) target(%dma_start3A_393 : memref<10000x128xf32, #tpu.memory_space<vmem_shared>>) offsets(%arg11 : memref<40xi32, #tpu.memory_space<vmem>>) semaphore(%arg27 : memref<!tpu.dma_semaphore, #tpu.memory_space<semaphore_mem>>) {add = true}
      %add3A_394 = arith.constant 5 : i32
      %add3A_395 = arith.addi %mul3A_317, %add3A_394 : i32
      %add3A_396 = arith.constant 0 : i32
      %add3A_397 = arith.addi %add3A_395, %add3A_396 : i32
      %mul3A_398 = arith.constant 40 : i32
      %mul3A_399 = arith.muli %add3A_397, %mul3A_398 : i32
      %add3A_400 = arith.addi %mul3A_4, %mul3A_399 : i32
      %add3A_401 = arith.constant 320000 : i32
      %add3A_402 = arith.addi %add3A_401, %add3A_400 : i32
      %dma_start3A_403 = tpu.memref_slice %arg3[%add3A_402] : memref<640000xi32, #tpu.memory_space<hbm>> -> memref<40xi32, #tpu.memory_space<hbm>>
      %dma_start3A_404 = tpu.memref_slice %arg3[%add3A_402] : memref<640000xi32, #tpu.memory_space<hbm>> -> memref<40xi32, #tpu.memory_space<hbm>>
      tpu.enqueue_dma source(%dma_start3A_404 : memref<40xi32, #tpu.memory_space<hbm>>) target(%arg6 : memref<40xi32, #tpu.memory_space<vmem>>) target_semaphore(%arg32 : memref<!tpu.dma_semaphore, #tpu.memory_space<semaphore_mem>>)
      %dma_start3A_405 = tpu.memref_slice %arg3[%add3A_400] : memref<640000xi32, #tpu.memory_space<hbm>> -> memref<40xi32, #tpu.memory_space<hbm>>
      %dma_start3A_406 = tpu.memref_slice %arg3[%add3A_400] : memref<640000xi32, #tpu.memory_space<hbm>> -> memref<40xi32, #tpu.memory_space<hbm>>
      tpu.enqueue_dma source(%dma_start3A_406 : memref<40xi32, #tpu.memory_space<hbm>>) target(%arg11 : memref<40xi32, #tpu.memory_space<vmem>>) target_semaphore(%arg32 : memref<!tpu.dma_semaphore, #tpu.memory_space<semaphore_mem>>)
      %dma_wait3A_407 = arith.constant 0 : i32
      %dma_wait3A_408 = arith.constant 0 : i32
      %dma_wait3A_409 = tpu.memref_slice %arg2[%dma_wait3A_407, %dma_wait3A_408] : memref<10000x128xf32, #tpu.memory_space<hbm>> -> memref<10000x128xf32, #tpu.memory_space<hbm>>
      tpu.wait_indirect_dma semaphore(%arg23 : memref<!tpu.dma_semaphore, #tpu.memory_space<semaphore_mem>>) src(%dma_wait3A_409 : memref<10000x128xf32, #tpu.memory_space<hbm>>) dst(%arg17 : memref<40x128xf32, #tpu.memory_space<vmem>>)
      %dma_start3A_410 = arith.constant 0 : i32
      %dma_start3A_411 = arith.constant 0 : i32
      %dma_start3A_412 = tpu.memref_slice %arg21[%dma_start3A_410, %dma_start3A_411] : memref<10000x128xf32, #tpu.memory_space<vmem_shared>> -> memref<10000x128xf32, #tpu.memory_space<vmem_shared>>
      tpu.enqueue_indirect_dma source(%arg17 : memref<40x128xf32, #tpu.memory_space<vmem>>) target(%dma_start3A_412 : memref<10000x128xf32, #tpu.memory_space<vmem_shared>>) offsets(%arg12 : memref<40xi32, #tpu.memory_space<vmem>>) semaphore(%arg28 : memref<!tpu.dma_semaphore, #tpu.memory_space<semaphore_mem>>) {add = true}
      %add3A_413 = arith.constant 5 : i32
      %add3A_414 = arith.addi %mul3A_317, %add3A_413 : i32
      %add3A_415 = arith.constant 1 : i32
      %add3A_416 = arith.addi %add3A_414, %add3A_415 : i32
      %mul3A_417 = arith.constant 40 : i32
      %mul3A_418 = arith.muli %add3A_416, %mul3A_417 : i32
      %add3A_419 = arith.addi %mul3A_4, %mul3A_418 : i32
      %add3A_420 = arith.constant 320000 : i32
      %add3A_421 = arith.addi %add3A_420, %add3A_419 : i32
      %dma_start3A_422 = tpu.memref_slice %arg3[%add3A_421] : memref<640000xi32, #tpu.memory_space<hbm>> -> memref<40xi32, #tpu.memory_space<hbm>>
      %dma_start3A_423 = tpu.memref_slice %arg3[%add3A_421] : memref<640000xi32, #tpu.memory_space<hbm>> -> memref<40xi32, #tpu.memory_space<hbm>>
      tpu.enqueue_dma source(%dma_start3A_423 : memref<40xi32, #tpu.memory_space<hbm>>) target(%arg7 : memref<40xi32, #tpu.memory_space<vmem>>) target_semaphore(%arg33 : memref<!tpu.dma_semaphore, #tpu.memory_space<semaphore_mem>>)
      %dma_start3A_424 = tpu.memref_slice %arg3[%add3A_419] : memref<640000xi32, #tpu.memory_space<hbm>> -> memref<40xi32, #tpu.memory_space<hbm>>
      %dma_start3A_425 = tpu.memref_slice %arg3[%add3A_419] : memref<640000xi32, #tpu.memory_space<hbm>> -> memref<40xi32, #tpu.memory_space<hbm>>
      tpu.enqueue_dma source(%dma_start3A_425 : memref<40xi32, #tpu.memory_space<hbm>>) target(%arg12 : memref<40xi32, #tpu.memory_space<vmem>>) target_semaphore(%arg33 : memref<!tpu.dma_semaphore, #tpu.memory_space<semaphore_mem>>)
      %dma_wait3A_426 = arith.constant 0 : i32
      %dma_wait3A_427 = arith.constant 0 : i32
      %dma_wait3A_428 = tpu.memref_slice %arg2[%dma_wait3A_426, %dma_wait3A_427] : memref<10000x128xf32, #tpu.memory_space<hbm>> -> memref<10000x128xf32, #tpu.memory_space<hbm>>
      tpu.wait_indirect_dma semaphore(%arg24 : memref<!tpu.dma_semaphore, #tpu.memory_space<semaphore_mem>>) src(%dma_wait3A_428 : memref<10000x128xf32, #tpu.memory_space<hbm>>) dst(%arg18 : memref<40x128xf32, #tpu.memory_space<vmem>>)
      %dma_start3A_429 = arith.constant 0 : i32
      %dma_start3A_430 = arith.constant 0 : i32
      %dma_start3A_431 = tpu.memref_slice %arg21[%dma_start3A_429, %dma_start3A_430] : memref<10000x128xf32, #tpu.memory_space<vmem_shared>> -> memref<10000x128xf32, #tpu.memory_space<vmem_shared>>
      tpu.enqueue_indirect_dma source(%arg18 : memref<40x128xf32, #tpu.memory_space<vmem>>) target(%dma_start3A_431 : memref<10000x128xf32, #tpu.memory_space<vmem_shared>>) offsets(%arg13 : memref<40xi32, #tpu.memory_space<vmem>>) semaphore(%arg29 : memref<!tpu.dma_semaphore, #tpu.memory_space<semaphore_mem>>) {add = true}
      %add3A_432 = arith.constant 5 : i32
      %add3A_433 = arith.addi %mul3A_317, %add3A_432 : i32
      %add3A_434 = arith.constant 2 : i32
      %add3A_435 = arith.addi %add3A_433, %add3A_434 : i32
      %mul3A_436 = arith.constant 40 : i32
      %mul3A_437 = arith.muli %add3A_435, %mul3A_436 : i32
      %add3A_438 = arith.addi %mul3A_4, %mul3A_437 : i32
      %add3A_439 = arith.constant 320000 : i32
      %add3A_440 = arith.addi %add3A_439, %add3A_438 : i32
      %dma_start3A_441 = tpu.memref_slice %arg3[%add3A_440] : memref<640000xi32, #tpu.memory_space<hbm>> -> memref<40xi32, #tpu.memory_space<hbm>>
      %dma_start3A_442 = tpu.memref_slice %arg3[%add3A_440] : memref<640000xi32, #tpu.memory_space<hbm>> -> memref<40xi32, #tpu.memory_space<hbm>>
      tpu.enqueue_dma source(%dma_start3A_442 : memref<40xi32, #tpu.memory_space<hbm>>) target(%arg8 : memref<40xi32, #tpu.memory_space<vmem>>) target_semaphore(%arg34 : memref<!tpu.dma_semaphore, #tpu.memory_space<semaphore_mem>>)
      %dma_start3A_443 = tpu.memref_slice %arg3[%add3A_438] : memref<640000xi32, #tpu.memory_space<hbm>> -> memref<40xi32, #tpu.memory_space<hbm>>
      %dma_start3A_444 = tpu.memref_slice %arg3[%add3A_438] : memref<640000xi32, #tpu.memory_space<hbm>> -> memref<40xi32, #tpu.memory_space<hbm>>
      tpu.enqueue_dma source(%dma_start3A_444 : memref<40xi32, #tpu.memory_space<hbm>>) target(%arg13 : memref<40xi32, #tpu.memory_space<vmem>>) target_semaphore(%arg34 : memref<!tpu.dma_semaphore, #tpu.memory_space<semaphore_mem>>)
      %dma_wait3A_445 = arith.constant 0 : i32
      %dma_wait3A_446 = arith.constant 0 : i32
      %dma_wait3A_447 = tpu.memref_slice %arg2[%dma_wait3A_445, %dma_wait3A_446] : memref<10000x128xf32, #tpu.memory_space<hbm>> -> memref<10000x128xf32, #tpu.memory_space<hbm>>
      tpu.wait_indirect_dma semaphore(%arg25 : memref<!tpu.dma_semaphore, #tpu.memory_space<semaphore_mem>>) src(%dma_wait3A_447 : memref<10000x128xf32, #tpu.memory_space<hbm>>) dst(%arg19 : memref<40x128xf32, #tpu.memory_space<vmem>>)
      %dma_start3A_448 = arith.constant 0 : i32
      %dma_start3A_449 = arith.constant 0 : i32
      %dma_start3A_450 = tpu.memref_slice %arg21[%dma_start3A_448, %dma_start3A_449] : memref<10000x128xf32, #tpu.memory_space<vmem_shared>> -> memref<10000x128xf32, #tpu.memory_space<vmem_shared>>
      tpu.enqueue_indirect_dma source(%arg19 : memref<40x128xf32, #tpu.memory_space<vmem>>) target(%dma_start3A_450 : memref<10000x128xf32, #tpu.memory_space<vmem_shared>>) offsets(%arg14 : memref<40xi32, #tpu.memory_space<vmem>>) semaphore(%arg30 : memref<!tpu.dma_semaphore, #tpu.memory_space<semaphore_mem>>) {add = true}
      %add3A_451 = arith.constant 5 : i32
      %add3A_452 = arith.addi %mul3A_317, %add3A_451 : i32
      %add3A_453 = arith.constant 3 : i32
      %add3A_454 = arith.addi %add3A_452, %add3A_453 : i32
      %mul3A_455 = arith.constant 40 : i32
      %mul3A_456 = arith.muli %add3A_454, %mul3A_455 : i32
      %add3A_457 = arith.addi %mul3A_4, %mul3A_456 : i32
      %add3A_458 = arith.constant 320000 : i32
      %add3A_459 = arith.addi %add3A_458, %add3A_457 : i32
      %dma_start3A_460 = tpu.memref_slice %arg3[%add3A_459] : memref<640000xi32, #tpu.memory_space<hbm>> -> memref<40xi32, #tpu.memory_space<hbm>>
      %dma_start3A_461 = tpu.memref_slice %arg3[%add3A_459] : memref<640000xi32, #tpu.memory_space<hbm>> -> memref<40xi32, #tpu.memory_space<hbm>>
      tpu.enqueue_dma source(%dma_start3A_461 : memref<40xi32, #tpu.memory_space<hbm>>) target(%arg9 : memref<40xi32, #tpu.memory_space<vmem>>) target_semaphore(%arg35 : memref<!tpu.dma_semaphore, #tpu.memory_space<semaphore_mem>>)
      %dma_start3A_462 = tpu.memref_slice %arg3[%add3A_457] : memref<640000xi32, #tpu.memory_space<hbm>> -> memref<40xi32, #tpu.memory_space<hbm>>
      %dma_start3A_463 = tpu.memref_slice %arg3[%add3A_457] : memref<640000xi32, #tpu.memory_space<hbm>> -> memref<40xi32, #tpu.memory_space<hbm>>
      tpu.enqueue_dma source(%dma_start3A_463 : memref<40xi32, #tpu.memory_space<hbm>>) target(%arg14 : memref<40xi32, #tpu.memory_space<vmem>>) target_semaphore(%arg35 : memref<!tpu.dma_semaphore, #tpu.memory_space<semaphore_mem>>)
      %dma_wait3A_464 = arith.constant 0 : i32
      %dma_wait3A_465 = arith.constant 0 : i32
      %dma_wait3A_466 = tpu.memref_slice %arg2[%dma_wait3A_464, %dma_wait3A_465] : memref<10000x128xf32, #tpu.memory_space<hbm>> -> memref<10000x128xf32, #tpu.memory_space<hbm>>
      tpu.wait_indirect_dma semaphore(%arg26 : memref<!tpu.dma_semaphore, #tpu.memory_space<semaphore_mem>>) src(%dma_wait3A_466 : memref<10000x128xf32, #tpu.memory_space<hbm>>) dst(%arg20 : memref<40x128xf32, #tpu.memory_space<vmem>>)
      %dma_start3A_467 = arith.constant 0 : i32
      %dma_start3A_468 = arith.constant 0 : i32
      %dma_start3A_469 = tpu.memref_slice %arg21[%dma_start3A_467, %dma_start3A_468] : memref<10000x128xf32, #tpu.memory_space<vmem_shared>> -> memref<10000x128xf32, #tpu.memory_space<vmem_shared>>
      tpu.enqueue_indirect_dma source(%arg20 : memref<40x128xf32, #tpu.memory_space<vmem>>) target(%dma_start3A_469 : memref<10000x128xf32, #tpu.memory_space<vmem_shared>>) offsets(%arg15 : memref<40xi32, #tpu.memory_space<vmem>>) semaphore(%arg31 : memref<!tpu.dma_semaphore, #tpu.memory_space<semaphore_mem>>) {add = true}
      %add3A_470 = arith.constant 5 : i32
      %add3A_471 = arith.addi %mul3A_317, %add3A_470 : i32
      %add3A_472 = arith.constant 4 : i32
      %add3A_473 = arith.addi %add3A_471, %add3A_472 : i32
      %mul3A_474 = arith.constant 40 : i32
      %mul3A_475 = arith.muli %add3A_473, %mul3A_474 : i32
      %add3A_476 = arith.addi %mul3A_4, %mul3A_475 : i32
      %add3A_477 = arith.constant 320000 : i32
      %add3A_478 = arith.addi %add3A_477, %add3A_476 : i32
      %dma_start3A_479 = tpu.memref_slice %arg3[%add3A_478] : memref<640000xi32, #tpu.memory_space<hbm>> -> memref<40xi32, #tpu.memory_space<hbm>>
      %dma_start3A_480 = tpu.memref_slice %arg3[%add3A_478] : memref<640000xi32, #tpu.memory_space<hbm>> -> memref<40xi32, #tpu.memory_space<hbm>>
      tpu.enqueue_dma source(%dma_start3A_480 : memref<40xi32, #tpu.memory_space<hbm>>) target(%arg10 : memref<40xi32, #tpu.memory_space<vmem>>) target_semaphore(%arg36 : memref<!tpu.dma_semaphore, #tpu.memory_space<semaphore_mem>>)
      %dma_start3A_481 = tpu.memref_slice %arg3[%add3A_476] : memref<640000xi32, #tpu.memory_space<hbm>> -> memref<40xi32, #tpu.memory_space<hbm>>
      %dma_start3A_482 = tpu.memref_slice %arg3[%add3A_476] : memref<640000xi32, #tpu.memory_space<hbm>> -> memref<40xi32, #tpu.memory_space<hbm>>
      tpu.enqueue_dma source(%dma_start3A_482 : memref<40xi32, #tpu.memory_space<hbm>>) target(%arg15 : memref<40xi32, #tpu.memory_space<vmem>>) target_semaphore(%arg36 : memref<!tpu.dma_semaphore, #tpu.memory_space<semaphore_mem>>)
    }
    %scan3A_188 = arith.constant 48 : i32
    %dma_wait3A_189 = arith.constant 0 : i32
    %dma_wait3A_190 = arith.constant 0 : i32
    %dma_wait3A_191 = tpu.memref_slice %arg21[%dma_wait3A_189, %dma_wait3A_190] : memref<10000x128xf32, #tpu.memory_space<vmem_shared>> -> memref<10000x128xf32, #tpu.memory_space<vmem_shared>>
    tpu.wait_indirect_dma semaphore(%arg27 : memref<!tpu.dma_semaphore, #tpu.memory_space<semaphore_mem>>) src(%arg16 : memref<40x128xf32, #tpu.memory_space<vmem>>) dst(%dma_wait3A_191 : memref<10000x128xf32, #tpu.memory_space<vmem_shared>>)
    %dma_wait3A_192 = arith.constant 0 : i32
    %dma_wait3A_193 = tpu.memref_slice %arg3[%dma_wait3A_192] : memref<640000xi32, #tpu.memory_space<hbm>> -> memref<40xi32, #tpu.memory_space<hbm>>
    %dma_wait3A_194 = arith.constant 0 : i32
    %dma_wait3A_195 = tpu.memref_slice %arg3[%dma_wait3A_194] : memref<640000xi32, #tpu.memory_space<hbm>> -> memref<40xi32, #tpu.memory_space<hbm>>
    tpu.wait_dma2 semaphore(%arg32 : memref<!tpu.dma_semaphore, #tpu.memory_space<semaphore_mem>>) src(%dma_wait3A_195 : memref<40xi32, #tpu.memory_space<hbm>>) dst(%arg6 : memref<40xi32, #tpu.memory_space<vmem>>)
    %dma_wait3A_196 = arith.constant 0 : i32
    %dma_wait3A_197 = tpu.memref_slice %arg3[%dma_wait3A_196] : memref<640000xi32, #tpu.memory_space<hbm>> -> memref<40xi32, #tpu.memory_space<hbm>>
    %dma_wait3A_198 = arith.constant 0 : i32
    %dma_wait3A_199 = tpu.memref_slice %arg3[%dma_wait3A_198] : memref<640000xi32, #tpu.memory_space<hbm>> -> memref<40xi32, #tpu.memory_space<hbm>>
    tpu.wait_dma2 semaphore(%arg32 : memref<!tpu.dma_semaphore, #tpu.memory_space<semaphore_mem>>) src(%dma_wait3A_199 : memref<40xi32, #tpu.memory_space<hbm>>) dst(%arg11 : memref<40xi32, #tpu.memory_space<vmem>>)
    %dma_start3A_200 = arith.constant 0 : i32
    %dma_start3A_201 = arith.constant 0 : i32
    %dma_start3A_202 = tpu.memref_slice %arg2[%dma_start3A_200, %dma_start3A_201] : memref<10000x128xf32, #tpu.memory_space<hbm>> -> memref<10000x128xf32, #tpu.memory_space<hbm>>
    tpu.enqueue_indirect_dma source(%dma_start3A_202 : memref<10000x128xf32, #tpu.memory_space<hbm>>) target(%arg16 : memref<40x128xf32, #tpu.memory_space<vmem>>) offsets(%arg6 : memref<40xi32, #tpu.memory_space<vmem>>) semaphore(%arg22 : memref<!tpu.dma_semaphore, #tpu.memory_space<semaphore_mem>>)
    %dma_wait3A_203 = arith.constant 0 : i32
    %dma_wait3A_204 = arith.constant 0 : i32
    %dma_wait3A_205 = tpu.memref_slice %arg21[%dma_wait3A_203, %dma_wait3A_204] : memref<10000x128xf32, #tpu.memory_space<vmem_shared>> -> memref<10000x128xf32, #tpu.memory_space<vmem_shared>>
    tpu.wait_indirect_dma semaphore(%arg28 : memref<!tpu.dma_semaphore, #tpu.memory_space<semaphore_mem>>) src(%arg17 : memref<40x128xf32, #tpu.memory_space<vmem>>) dst(%dma_wait3A_205 : memref<10000x128xf32, #tpu.memory_space<vmem_shared>>)
    %dma_wait3A_206 = arith.constant 0 : i32
    %dma_wait3A_207 = tpu.memref_slice %arg3[%dma_wait3A_206] : memref<640000xi32, #tpu.memory_space<hbm>> -> memref<40xi32, #tpu.memory_space<hbm>>
    %dma_wait3A_208 = arith.constant 0 : i32
    %dma_wait3A_209 = tpu.memref_slice %arg3[%dma_wait3A_208] : memref<640000xi32, #tpu.memory_space<hbm>> -> memref<40xi32, #tpu.memory_space<hbm>>
    tpu.wait_dma2 semaphore(%arg33 : memref<!tpu.dma_semaphore, #tpu.memory_space<semaphore_mem>>) src(%dma_wait3A_209 : memref<40xi32, #tpu.memory_space<hbm>>) dst(%arg7 : memref<40xi32, #tpu.memory_space<vmem>>)
    %dma_wait3A_210 = arith.constant 0 : i32
    %dma_wait3A_211 = tpu.memref_slice %arg3[%dma_wait3A_210] : memref<640000xi32, #tpu.memory_space<hbm>> -> memref<40xi32, #tpu.memory_space<hbm>>
    %dma_wait3A_212 = arith.constant 0 : i32
    %dma_wait3A_213 = tpu.memref_slice %arg3[%dma_wait3A_212] : memref<640000xi32, #tpu.memory_space<hbm>> -> memref<40xi32, #tpu.memory_space<hbm>>
    tpu.wait_dma2 semaphore(%arg33 : memref<!tpu.dma_semaphore, #tpu.memory_space<semaphore_mem>>) src(%dma_wait3A_213 : memref<40xi32, #tpu.memory_space<hbm>>) dst(%arg12 : memref<40xi32, #tpu.memory_space<vmem>>)
    %dma_start3A_214 = arith.constant 0 : i32
    %dma_start3A_215 = arith.constant 0 : i32
    %dma_start3A_216 = tpu.memref_slice %arg2[%dma_start3A_214, %dma_start3A_215] : memref<10000x128xf32, #tpu.memory_space<hbm>> -> memref<10000x128xf32, #tpu.memory_space<hbm>>
    tpu.enqueue_indirect_dma source(%dma_start3A_216 : memref<10000x128xf32, #tpu.memory_space<hbm>>) target(%arg17 : memref<40x128xf32, #tpu.memory_space<vmem>>) offsets(%arg7 : memref<40xi32, #tpu.memory_space<vmem>>) semaphore(%arg23 : memref<!tpu.dma_semaphore, #tpu.memory_space<semaphore_mem>>)
    %dma_wait3A_217 = arith.constant 0 : i32
    %dma_wait3A_218 = arith.constant 0 : i32
    %dma_wait3A_219 = tpu.memref_slice %arg21[%dma_wait3A_217, %dma_wait3A_218] : memref<10000x128xf32, #tpu.memory_space<vmem_shared>> -> memref<10000x128xf32, #tpu.memory_space<vmem_shared>>
    tpu.wait_indirect_dma semaphore(%arg29 : memref<!tpu.dma_semaphore, #tpu.memory_space<semaphore_mem>>) src(%arg18 : memref<40x128xf32, #tpu.memory_space<vmem>>) dst(%dma_wait3A_219 : memref<10000x128xf32, #tpu.memory_space<vmem_shared>>)
    %dma_wait3A_220 = arith.constant 0 : i32
    %dma_wait3A_221 = tpu.memref_slice %arg3[%dma_wait3A_220] : memref<640000xi32, #tpu.memory_space<hbm>> -> memref<40xi32, #tpu.memory_space<hbm>>
    %dma_wait3A_222 = arith.constant 0 : i32
    %dma_wait3A_223 = tpu.memref_slice %arg3[%dma_wait3A_222] : memref<640000xi32, #tpu.memory_space<hbm>> -> memref<40xi32, #tpu.memory_space<hbm>>
    tpu.wait_dma2 semaphore(%arg34 : memref<!tpu.dma_semaphore, #tpu.memory_space<semaphore_mem>>) src(%dma_wait3A_223 : memref<40xi32, #tpu.memory_space<hbm>>) dst(%arg8 : memref<40xi32, #tpu.memory_space<vmem>>)
    %dma_wait3A_224 = arith.constant 0 : i32
    %dma_wait3A_225 = tpu.memref_slice %arg3[%dma_wait3A_224] : memref<640000xi32, #tpu.memory_space<hbm>> -> memref<40xi32, #tpu.memory_space<hbm>>
    %dma_wait3A_226 = arith.constant 0 : i32
    %dma_wait3A_227 = tpu.memref_slice %arg3[%dma_wait3A_226] : memref<640000xi32, #tpu.memory_space<hbm>> -> memref<40xi32, #tpu.memory_space<hbm>>
    tpu.wait_dma2 semaphore(%arg34 : memref<!tpu.dma_semaphore, #tpu.memory_space<semaphore_mem>>) src(%dma_wait3A_227 : memref<40xi32, #tpu.memory_space<hbm>>) dst(%arg13 : memref<40xi32, #tpu.memory_space<vmem>>)
    %dma_start3A_228 = arith.constant 0 : i32
    %dma_start3A_229 = arith.constant 0 : i32
    %dma_start3A_230 = tpu.memref_slice %arg2[%dma_start3A_228, %dma_start3A_229] : memref<10000x128xf32, #tpu.memory_space<hbm>> -> memref<10000x128xf32, #tpu.memory_space<hbm>>
    tpu.enqueue_indirect_dma source(%dma_start3A_230 : memref<10000x128xf32, #tpu.memory_space<hbm>>) target(%arg18 : memref<40x128xf32, #tpu.memory_space<vmem>>) offsets(%arg8 : memref<40xi32, #tpu.memory_space<vmem>>) semaphore(%arg24 : memref<!tpu.dma_semaphore, #tpu.memory_space<semaphore_mem>>)
    %dma_wait3A_231 = arith.constant 0 : i32
    %dma_wait3A_232 = arith.constant 0 : i32
    %dma_wait3A_233 = tpu.memref_slice %arg21[%dma_wait3A_231, %dma_wait3A_232] : memref<10000x128xf32, #tpu.memory_space<vmem_shared>> -> memref<10000x128xf32, #tpu.memory_space<vmem_shared>>
    tpu.wait_indirect_dma semaphore(%arg30 : memref<!tpu.dma_semaphore, #tpu.memory_space<semaphore_mem>>) src(%arg19 : memref<40x128xf32, #tpu.memory_space<vmem>>) dst(%dma_wait3A_233 : memref<10000x128xf32, #tpu.memory_space<vmem_shared>>)
    %dma_wait3A_234 = arith.constant 0 : i32
    %dma_wait3A_235 = tpu.memref_slice %arg3[%dma_wait3A_234] : memref<640000xi32, #tpu.memory_space<hbm>> -> memref<40xi32, #tpu.memory_space<hbm>>
    %dma_wait3A_236 = arith.constant 0 : i32
    %dma_wait3A_237 = tpu.memref_slice %arg3[%dma_wait3A_236] : memref<640000xi32, #tpu.memory_space<hbm>> -> memref<40xi32, #tpu.memory_space<hbm>>
    tpu.wait_dma2 semaphore(%arg35 : memref<!tpu.dma_semaphore, #tpu.memory_space<semaphore_mem>>) src(%dma_wait3A_237 : memref<40xi32, #tpu.memory_space<hbm>>) dst(%arg9 : memref<40xi32, #tpu.memory_space<vmem>>)
    %dma_wait3A_238 = arith.constant 0 : i32
    %dma_wait3A_239 = tpu.memref_slice %arg3[%dma_wait3A_238] : memref<640000xi32, #tpu.memory_space<hbm>> -> memref<40xi32, #tpu.memory_space<hbm>>
    %dma_wait3A_240 = arith.constant 0 : i32
    %dma_wait3A_241 = tpu.memref_slice %arg3[%dma_wait3A_240] : memref<640000xi32, #tpu.memory_space<hbm>> -> memref<40xi32, #tpu.memory_space<hbm>>
    tpu.wait_dma2 semaphore(%arg35 : memref<!tpu.dma_semaphore, #tpu.memory_space<semaphore_mem>>) src(%dma_wait3A_241 : memref<40xi32, #tpu.memory_space<hbm>>) dst(%arg14 : memref<40xi32, #tpu.memory_space<vmem>>)
    %dma_start3A_242 = arith.constant 0 : i32
    %dma_start3A_243 = arith.constant 0 : i32
    %dma_start3A_244 = tpu.memref_slice %arg2[%dma_start3A_242, %dma_start3A_243] : memref<10000x128xf32, #tpu.memory_space<hbm>> -> memref<10000x128xf32, #tpu.memory_space<hbm>>
    tpu.enqueue_indirect_dma source(%dma_start3A_244 : memref<10000x128xf32, #tpu.memory_space<hbm>>) target(%arg19 : memref<40x128xf32, #tpu.memory_space<vmem>>) offsets(%arg9 : memref<40xi32, #tpu.memory_space<vmem>>) semaphore(%arg25 : memref<!tpu.dma_semaphore, #tpu.memory_space<semaphore_mem>>)
    %dma_wait3A_245 = arith.constant 0 : i32
    %dma_wait3A_246 = arith.constant 0 : i32
    %dma_wait3A_247 = tpu.memref_slice %arg21[%dma_wait3A_245, %dma_wait3A_246] : memref<10000x128xf32, #tpu.memory_space<vmem_shared>> -> memref<10000x128xf32, #tpu.memory_space<vmem_shared>>
    tpu.wait_indirect_dma semaphore(%arg31 : memref<!tpu.dma_semaphore, #tpu.memory_space<semaphore_mem>>) src(%arg20 : memref<40x128xf32, #tpu.memory_space<vmem>>) dst(%dma_wait3A_247 : memref<10000x128xf32, #tpu.memory_space<vmem_shared>>)
    %dma_wait3A_248 = arith.constant 0 : i32
    %dma_wait3A_249 = tpu.memref_slice %arg3[%dma_wait3A_248] : memref<640000xi32, #tpu.memory_space<hbm>> -> memref<40xi32, #tpu.memory_space<hbm>>
    %dma_wait3A_250 = arith.constant 0 : i32
    %dma_wait3A_251 = tpu.memref_slice %arg3[%dma_wait3A_250] : memref<640000xi32, #tpu.memory_space<hbm>> -> memref<40xi32, #tpu.memory_space<hbm>>
    tpu.wait_dma2 semaphore(%arg36 : memref<!tpu.dma_semaphore, #tpu.memory_space<semaphore_mem>>) src(%dma_wait3A_251 : memref<40xi32, #tpu.memory_space<hbm>>) dst(%arg10 : memref<40xi32, #tpu.memory_space<vmem>>)
    %dma_wait3A_252 = arith.constant 0 : i32
    %dma_wait3A_253 = tpu.memref_slice %arg3[%dma_wait3A_252] : memref<640000xi32, #tpu.memory_space<hbm>> -> memref<40xi32, #tpu.memory_space<hbm>>
    %dma_wait3A_254 = arith.constant 0 : i32
    %dma_wait3A_255 = tpu.memref_slice %arg3[%dma_wait3A_254] : memref<640000xi32, #tpu.memory_space<hbm>> -> memref<40xi32, #tpu.memory_space<hbm>>
    tpu.wait_dma2 semaphore(%arg36 : memref<!tpu.dma_semaphore, #tpu.memory_space<semaphore_mem>>) src(%dma_wait3A_255 : memref<40xi32, #tpu.memory_space<hbm>>) dst(%arg15 : memref<40xi32, #tpu.memory_space<vmem>>)
    %dma_start3A_256 = arith.constant 0 : i32
    %dma_start3A_257 = arith.constant 0 : i32
    %dma_start3A_258 = tpu.memref_slice %arg2[%dma_start3A_256, %dma_start3A_257] : memref<10000x128xf32, #tpu.memory_space<hbm>> -> memref<10000x128xf32, #tpu.memory_space<hbm>>
    tpu.enqueue_indirect_dma source(%dma_start3A_258 : memref<10000x128xf32, #tpu.memory_space<hbm>>) target(%arg20 : memref<40x128xf32, #tpu.memory_space<vmem>>) offsets(%arg10 : memref<40xi32, #tpu.memory_space<vmem>>) semaphore(%arg26 : memref<!tpu.dma_semaphore, #tpu.memory_space<semaphore_mem>>)
    %dma_wait3A_259 = arith.constant 0 : i32
    %dma_wait3A_260 = arith.constant 0 : i32
    %dma_wait3A_261 = tpu.memref_slice %arg2[%dma_wait3A_259, %dma_wait3A_260] : memref<10000x128xf32, #tpu.memory_space<hbm>> -> memref<10000x128xf32, #tpu.memory_space<hbm>>
    tpu.wait_indirect_dma semaphore(%arg22 : memref<!tpu.dma_semaphore, #tpu.memory_space<semaphore_mem>>) src(%dma_wait3A_261 : memref<10000x128xf32, #tpu.memory_space<hbm>>) dst(%arg16 : memref<40x128xf32, #tpu.memory_space<vmem>>)
    %dma_start3A_262 = arith.constant 0 : i32
    %dma_start3A_263 = arith.constant 0 : i32
    %dma_start3A_264 = tpu.memref_slice %arg21[%dma_start3A_262, %dma_start3A_263] : memref<10000x128xf32, #tpu.memory_space<vmem_shared>> -> memref<10000x128xf32, #tpu.memory_space<vmem_shared>>
    tpu.enqueue_indirect_dma source(%arg16 : memref<40x128xf32, #tpu.memory_space<vmem>>) target(%dma_start3A_264 : memref<10000x128xf32, #tpu.memory_space<vmem_shared>>) offsets(%arg11 : memref<40xi32, #tpu.memory_space<vmem>>) semaphore(%arg27 : memref<!tpu.dma_semaphore, #tpu.memory_space<semaphore_mem>>) {add = true}
    %dma_wait3A_265 = arith.constant 0 : i32
    %dma_wait3A_266 = arith.constant 0 : i32
    %dma_wait3A_267 = tpu.memref_slice %arg2[%dma_wait3A_265, %dma_wait3A_266] : memref<10000x128xf32, #tpu.memory_space<hbm>> -> memref<10000x128xf32, #tpu.memory_space<hbm>>
    tpu.wait_indirect_dma semaphore(%arg23 : memref<!tpu.dma_semaphore, #tpu.memory_space<semaphore_mem>>) src(%dma_wait3A_267 : memref<10000x128xf32, #tpu.memory_space<hbm>>) dst(%arg17 : memref<40x128xf32, #tpu.memory_space<vmem>>)
    %dma_start3A_268 = arith.constant 0 : i32
    %dma_start3A_269 = arith.constant 0 : i32
    %dma_start3A_270 = tpu.memref_slice %arg21[%dma_start3A_268, %dma_start3A_269] : memref<10000x128xf32, #tpu.memory_space<vmem_shared>> -> memref<10000x128xf32, #tpu.memory_space<vmem_shared>>
    tpu.enqueue_indirect_dma source(%arg17 : memref<40x128xf32, #tpu.memory_space<vmem>>) target(%dma_start3A_270 : memref<10000x128xf32, #tpu.memory_space<vmem_shared>>) offsets(%arg12 : memref<40xi32, #tpu.memory_space<vmem>>) semaphore(%arg28 : memref<!tpu.dma_semaphore, #tpu.memory_space<semaphore_mem>>) {add = true}
    %dma_wait3A_271 = arith.constant 0 : i32
    %dma_wait3A_272 = arith.constant 0 : i32
    %dma_wait3A_273 = tpu.memref_slice %arg2[%dma_wait3A_271, %dma_wait3A_272] : memref<10000x128xf32, #tpu.memory_space<hbm>> -> memref<10000x128xf32, #tpu.memory_space<hbm>>
    tpu.wait_indirect_dma semaphore(%arg24 : memref<!tpu.dma_semaphore, #tpu.memory_space<semaphore_mem>>) src(%dma_wait3A_273 : memref<10000x128xf32, #tpu.memory_space<hbm>>) dst(%arg18 : memref<40x128xf32, #tpu.memory_space<vmem>>)
    %dma_start3A_274 = arith.constant 0 : i32
    %dma_start3A_275 = arith.constant 0 : i32
    %dma_start3A_276 = tpu.memref_slice %arg21[%dma_start3A_274, %dma_start3A_275] : memref<10000x128xf32, #tpu.memory_space<vmem_shared>> -> memref<10000x128xf32, #tpu.memory_space<vmem_shared>>
    tpu.enqueue_indirect_dma source(%arg18 : memref<40x128xf32, #tpu.memory_space<vmem>>) target(%dma_start3A_276 : memref<10000x128xf32, #tpu.memory_space<vmem_shared>>) offsets(%arg13 : memref<40xi32, #tpu.memory_space<vmem>>) semaphore(%arg29 : memref<!tpu.dma_semaphore, #tpu.memory_space<semaphore_mem>>) {add = true}
    %dma_wait3A_277 = arith.constant 0 : i32
    %dma_wait3A_278 = arith.constant 0 : i32
    %dma_wait3A_279 = tpu.memref_slice %arg2[%dma_wait3A_277, %dma_wait3A_278] : memref<10000x128xf32, #tpu.memory_space<hbm>> -> memref<10000x128xf32, #tpu.memory_space<hbm>>
    tpu.wait_indirect_dma semaphore(%arg25 : memref<!tpu.dma_semaphore, #tpu.memory_space<semaphore_mem>>) src(%dma_wait3A_279 : memref<10000x128xf32, #tpu.memory_space<hbm>>) dst(%arg19 : memref<40x128xf32, #tpu.memory_space<vmem>>)
    %dma_start3A_280 = arith.constant 0 : i32
    %dma_start3A_281 = arith.constant 0 : i32
    %dma_start3A_282 = tpu.memref_slice %arg21[%dma_start3A_280, %dma_start3A_281] : memref<10000x128xf32, #tpu.memory_space<vmem_shared>> -> memref<10000x128xf32, #tpu.memory_space<vmem_shared>>
    tpu.enqueue_indirect_dma source(%arg19 : memref<40x128xf32, #tpu.memory_space<vmem>>) target(%dma_start3A_282 : memref<10000x128xf32, #tpu.memory_space<vmem_shared>>) offsets(%arg14 : memref<40xi32, #tpu.memory_space<vmem>>) semaphore(%arg30 : memref<!tpu.dma_semaphore, #tpu.memory_space<semaphore_mem>>) {add = true}
    %dma_wait3A_283 = arith.constant 0 : i32
    %dma_wait3A_284 = arith.constant 0 : i32
    %dma_wait3A_285 = tpu.memref_slice %arg2[%dma_wait3A_283, %dma_wait3A_284] : memref<10000x128xf32, #tpu.memory_space<hbm>> -> memref<10000x128xf32, #tpu.memory_space<hbm>>
    tpu.wait_indirect_dma semaphore(%arg26 : memref<!tpu.dma_semaphore, #tpu.memory_space<semaphore_mem>>) src(%dma_wait3A_285 : memref<10000x128xf32, #tpu.memory_space<hbm>>) dst(%arg20 : memref<40x128xf32, #tpu.memory_space<vmem>>)
    %dma_start3A_286 = arith.constant 0 : i32
    %dma_start3A_287 = arith.constant 0 : i32
    %dma_start3A_288 = tpu.memref_slice %arg21[%dma_start3A_286, %dma_start3A_287] : memref<10000x128xf32, #tpu.memory_space<vmem_shared>> -> memref<10000x128xf32, #tpu.memory_space<vmem_shared>>
    tpu.enqueue_indirect_dma source(%arg20 : memref<40x128xf32, #tpu.memory_space<vmem>>) target(%dma_start3A_288 : memref<10000x128xf32, #tpu.memory_space<vmem_shared>>) offsets(%arg15 : memref<40xi32, #tpu.memory_space<vmem>>) semaphore(%arg31 : memref<!tpu.dma_semaphore, #tpu.memory_space<semaphore_mem>>) {add = true}
    %dma_wait3A_289 = arith.constant 0 : i32
    %dma_wait3A_290 = arith.constant 0 : i32
    %dma_wait3A_291 = tpu.memref_slice %arg21[%dma_wait3A_289, %dma_wait3A_290] : memref<10000x128xf32, #tpu.memory_space<vmem_shared>> -> memref<10000x128xf32, #tpu.memory_space<vmem_shared>>
    tpu.wait_indirect_dma semaphore(%arg27 : memref<!tpu.dma_semaphore, #tpu.memory_space<semaphore_mem>>) src(%arg16 : memref<40x128xf32, #tpu.memory_space<vmem>>) dst(%dma_wait3A_291 : memref<10000x128xf32, #tpu.memory_space<vmem_shared>>)
    %dma_wait3A_292 = arith.constant 0 : i32
    %dma_wait3A_293 = arith.constant 0 : i32
    %dma_wait3A_294 = tpu.memref_slice %arg21[%dma_wait3A_292, %dma_wait3A_293] : memref<10000x128xf32, #tpu.memory_space<vmem_shared>> -> memref<10000x128xf32, #tpu.memory_space<vmem_shared>>
    tpu.wait_indirect_dma semaphore(%arg28 : memref<!tpu.dma_semaphore, #tpu.memory_space<semaphore_mem>>) src(%arg17 : memref<40x128xf32, #tpu.memory_space<vmem>>) dst(%dma_wait3A_294 : memref<10000x128xf32, #tpu.memory_space<vmem_shared>>)
    %dma_wait3A_295 = arith.constant 0 : i32
    %dma_wait3A_296 = arith.constant 0 : i32
    %dma_wait3A_297 = tpu.memref_slice %arg21[%dma_wait3A_295, %dma_wait3A_296] : memref<10000x128xf32, #tpu.memory_space<vmem_shared>> -> memref<10000x128xf32, #tpu.memory_space<vmem_shared>>
    tpu.wait_indirect_dma semaphore(%arg29 : memref<!tpu.dma_semaphore, #tpu.memory_space<semaphore_mem>>) src(%arg18 : memref<40x128xf32, #tpu.memory_space<vmem>>) dst(%dma_wait3A_297 : memref<10000x128xf32, #tpu.memory_space<vmem_shared>>)
    %dma_wait3A_298 = arith.constant 0 : i32
    %dma_wait3A_299 = arith.constant 0 : i32
    %dma_wait3A_300 = tpu.memref_slice %arg21[%dma_wait3A_298, %dma_wait3A_299] : memref<10000x128xf32, #tpu.memory_space<vmem_shared>> -> memref<10000x128xf32, #tpu.memory_space<vmem_shared>>
    tpu.wait_indirect_dma semaphore(%arg30 : memref<!tpu.dma_semaphore, #tpu.memory_space<semaphore_mem>>) src(%arg19 : memref<40x128xf32, #tpu.memory_space<vmem>>) dst(%dma_wait3A_300 : memref<10000x128xf32, #tpu.memory_space<vmem_shared>>)
    %dma_wait3A_301 = arith.constant 0 : i32
    %dma_wait3A_302 = arith.constant 0 : i32
    %dma_wait3A_303 = tpu.memref_slice %arg21[%dma_wait3A_301, %dma_wait3A_302] : memref<10000x128xf32, #tpu.memory_space<vmem_shared>> -> memref<10000x128xf32, #tpu.memory_space<vmem_shared>>
    tpu.wait_indirect_dma semaphore(%arg31 : memref<!tpu.dma_semaphore, #tpu.memory_space<semaphore_mem>>) src(%arg20 : memref<40x128xf32, #tpu.memory_space<vmem>>) dst(%dma_wait3A_303 : memref<10000x128xf32, #tpu.memory_space<vmem_shared>>)
    %barrier3A_304 = arith.constant 0 : index
    tpu.barrier barrier_id(%barrier3A_304)
    %ne3A_305 = arith.constant 15 : i32
    %ne3A_306 = arith.cmpi ne, %arg1, %ne3A_305 : i32
    %convert_element_type3A_307 = arith.extui %ne3A_306 : i1 to i32
    %cond3A_308 = arith.constant 0 : i32
    %cond3A_309 = arith.cmpi ne, %convert_element_type3A_307, %cond3A_308 : i32
    scf.if %cond3A_309 {
      "tpu.region"() ({
        %run_scoped3A = tpu.sem_alloc : memref<!tpu.dma_semaphore, #tpu.memory_space<semaphore_mem>>
        %dma_start3A_315 = arith.constant 0 : i32
        %dma_start3A_316 = tpu.memref_slice %arg5[%arg0, %mul3A_2, %dma_start3A_315] : memref<2x10000x128xf32, #tpu.memory_space<hbm>> -> memref<1x624x128xf32, #tpu.memory_space<hbm>>
        %dma_start3A_317 = tpu.memref_squeeze %dma_start3A_316 : memref<1x624x128xf32, #tpu.memory_space<hbm>> -> memref<624x128xf32, #tpu.memory_space<hbm>>
        %dma_start3A_318 = arith.constant 0 : i32
        %dma_start3A_319 = tpu.memref_slice %arg21[%mul3A_2, %dma_start3A_318] : memref<10000x128xf32, #tpu.memory_space<vmem_shared>> -> memref<624x128xf32, #tpu.memory_space<vmem_shared>>
        tpu.enqueue_dma source(%dma_start3A_319 : memref<624x128xf32, #tpu.memory_space<vmem_shared>>) target(%dma_start3A_317 : memref<624x128xf32, #tpu.memory_space<hbm>>) target_semaphore(%run_scoped3A : memref<!tpu.dma_semaphore, #tpu.memory_space<semaphore_mem>>)
        %dma_wait3A_320 = arith.constant 0 : i32
        %dma_wait3A_321 = tpu.memref_slice %arg5[%arg0, %mul3A_2, %dma_wait3A_320] : memref<2x10000x128xf32, #tpu.memory_space<hbm>> -> memref<1x624x128xf32, #tpu.memory_space<hbm>>
        %dma_wait3A_322 = tpu.memref_squeeze %dma_wait3A_321 : memref<1x624x128xf32, #tpu.memory_space<hbm>> -> memref<624x128xf32, #tpu.memory_space<hbm>>
        %dma_wait3A_323 = arith.constant 0 : i32
        %dma_wait3A_324 = tpu.memref_slice %arg21[%mul3A_2, %dma_wait3A_323] : memref<10000x128xf32, #tpu.memory_space<vmem_shared>> -> memref<624x128xf32, #tpu.memory_space<vmem_shared>>
        tpu.wait_dma2 semaphore(%run_scoped3A : memref<!tpu.dma_semaphore, #tpu.memory_space<semaphore_mem>>) src(%dma_wait3A_324 : memref<624x128xf32, #tpu.memory_space<vmem_shared>>) dst(%dma_wait3A_322 : memref<624x128xf32, #tpu.memory_space<hbm>>)
        tpu.yield
      }) : () -> ()
    } else {
    }
    %eq3A_310 = arith.constant 15 : i32
    %eq3A_311 = arith.cmpi eq, %arg1, %eq3A_310 : i32
    %convert_element_type3A_312 = arith.extui %eq3A_311 : i1 to i32
    %cond3A_313 = arith.constant 0 : i32
    %cond3A_314 = arith.cmpi ne, %convert_element_type3A_312, %cond3A_313 : i32
    scf.if %cond3A_314 {
      "tpu.region"() ({
        %run_scoped3A = tpu.sem_alloc : memref<!tpu.dma_semaphore, #tpu.memory_space<semaphore_mem>>
        %dma_start3A_315 = arith.constant 0 : i32
        %dma_start3A_316 = tpu.memref_slice %arg5[%arg0, %mul3A_2, %dma_start3A_315] : memref<2x10000x128xf32, #tpu.memory_space<hbm>> -> memref<1x640x128xf32, #tpu.memory_space<hbm>>
        %dma_start3A_317 = tpu.memref_squeeze %dma_start3A_316 : memref<1x640x128xf32, #tpu.memory_space<hbm>> -> memref<640x128xf32, #tpu.memory_space<hbm>>
        %dma_start3A_318 = arith.constant 0 : i32
        %dma_start3A_319 = tpu.memref_slice %arg21[%mul3A_2, %dma_start3A_318] : memref<10000x128xf32, #tpu.memory_space<vmem_shared>> -> memref<640x128xf32, #tpu.memory_space<vmem_shared>>
        tpu.enqueue_dma source(%dma_start3A_319 : memref<640x128xf32, #tpu.memory_space<vmem_shared>>) target(%dma_start3A_317 : memref<640x128xf32, #tpu.memory_space<hbm>>) target_semaphore(%run_scoped3A : memref<!tpu.dma_semaphore, #tpu.memory_space<semaphore_mem>>)
        %dma_wait3A_320 = arith.constant 0 : i32
        %dma_wait3A_321 = tpu.memref_slice %arg5[%arg0, %mul3A_2, %dma_wait3A_320] : memref<2x10000x128xf32, #tpu.memory_space<hbm>> -> memref<1x640x128xf32, #tpu.memory_space<hbm>>
        %dma_wait3A_322 = tpu.memref_squeeze %dma_wait3A_321 : memref<1x640x128xf32, #tpu.memory_space<hbm>> -> memref<640x128xf32, #tpu.memory_space<hbm>>
        %dma_wait3A_323 = arith.constant 0 : i32
        %dma_wait3A_324 = tpu.memref_slice %arg21[%mul3A_2, %dma_wait3A_323] : memref<10000x128xf32, #tpu.memory_space<vmem_shared>> -> memref<640x128xf32, #tpu.memory_space<vmem_shared>>
        tpu.wait_dma2 semaphore(%run_scoped3A : memref<!tpu.dma_semaphore, #tpu.memory_space<semaphore_mem>>) src(%dma_wait3A_324 : memref<640x128xf32, #tpu.memory_space<vmem_shared>>) dst(%dma_wait3A_322 : memref<640x128xf32, #tpu.memory_space<hbm>>)
        tpu.yield
      }) : () -> ()
    } else {
    }
    return
  }
}

module attributes {stable_mosaic.version = 14 : i64} {
  func.func @_combine_body(%arg0: i32, %arg1: memref<2x1000x128xf32, #tpu.memory_space<vmem>>, %arg2: memref<128x128xf32, #tpu.memory_space<vmem>>, %arg3: memref<1000x128xf32, #tpu.memory_space<vmem>>) attributes {dimension_semantics = [#tpu.dimension_semantics<arbitrary>], iteration_bounds = array<i64: 10>, scalar_prefetch = 0 : i64, scratch_operands = 0 : i64, tpu.core_type = #tpu.core_type<tc>, window_params = [{transform_indices = @transform_0, window_bounds = array<i64: 2, 1000, 128>}, {pipeline_mode = #tpu.pipeline_mode<synchronous>, transform_indices = @transform_1, window_bounds = array<i64: 128, 128>}, {transform_indices = @transform_2, window_bounds = array<i64: 1000, 128>}]} {
    %get3A = arith.constant 0 : index
    %get3A_0 = arith.constant 0 : index
    %get3A_1 = arith.constant 0 : index
    %get3A_2 = vector.load %arg1[%get3A, %get3A_0, %get3A_1] : memref<2x1000x128xf32, #tpu.memory_space<vmem>>, vector<1x1000x128xf32>
    %get3A_3 = vector.shape_cast %get3A_2 : vector<1x1000x128xf32> to vector<1000x128xf32>
    %get3A_4 = arith.constant 1 : index
    %get3A_5 = arith.constant 0 : index
    %get3A_6 = arith.constant 0 : index
    %get3A_7 = vector.load %arg1[%get3A_4, %get3A_5, %get3A_6] : memref<2x1000x128xf32, #tpu.memory_space<vmem>>, vector<1x1000x128xf32>
    %get3A_8 = vector.shape_cast %get3A_7 : vector<1x1000x128xf32> to vector<1000x128xf32>
    %add3A = arith.addf %get3A_3, %get3A_8 : vector<1000x128xf32>
    %get3A_9 = arith.constant 0 : index
    %get3A_10 = arith.constant 0 : index
    %get3A_11 = vector.load %arg2[%get3A_9, %get3A_10] : memref<128x128xf32, #tpu.memory_space<vmem>>, vector<128x128xf32>
    %dot_general3A = arith.constant dense<0.000000e+00> : vector<1000x128xf32>
    %dot_general3A_12 = tpu.matmul %add3A, %get3A_11, %dot_general3A {dimension_numbers = #tpu.dot_dimension_numbers<[1], [0], [0], [1], [0, 0, 1, 1], [], []>, transpose_lhs_hint = false} : vector<1000x128xf32>, vector<128x128xf32>, vector<1000x128xf32> -> vector<1000x128xf32>
    %max3A = arith.constant 0.000000e+00 : f32
    %max3A_13 = vector.broadcast %max3A : f32 to vector<1000x128xf32>
    %max3A_14 = arith.maximumf %dot_general3A_12, %max3A_13 : vector<1000x128xf32>
    %swap3A = arith.constant 0 : index
    %swap3A_15 = arith.constant 0 : index
    %swap3A_16 = vector.load %arg3[%swap3A, %swap3A_15] : memref<1000x128xf32, #tpu.memory_space<vmem>>, vector<1000x128xf32>
    tpu.vector_store %arg3[%swap3A, %swap3A_15], %max3A_14 {strides = array<i32>} : memref<1000x128xf32, #tpu.memory_space<vmem>>, vector<1000x128xf32>,
    return
  }
  func.func @transform_0(%arg0: i32) -> (i32, i32, i32) {
    %c0_i32 = arith.constant 0 : i32
    %c0_i32_0 = arith.constant 0 : i32
    %c0_i32_1 = arith.constant 0 : i32
    return %c0_i32, %arg0, %c0_i32_0 : i32, i32, i32
  }
  func.func @transform_1(%arg0: i32) -> (i32, i32) {
    %c0_i32 = arith.constant 0 : i32
    %c0_i32_0 = arith.constant 0 : i32
    %c0_i32_1 = arith.constant 0 : i32
    return %c0_i32, %c0_i32_0 : i32, i32
  }
  func.func @transform_2(%arg0: i32) -> (i32, i32) {
    %c0_i32 = arith.constant 0 : i32
    %c0_i32_0 = arith.constant 0 : i32
    return %arg0, %c0_i32 : i32, i32
  }
}

</mosaic_0001>

<sc_bundles>
// kernel: kernel.4.cloned.1.call-start
scs
__scs_entry_jumppad:
0x0: {  	(pc) =	sbr.rel $0x88, $3  }
0x1: {  	(tag) =	ssettag $0x0;
	lr =	simm.s32 $0x1  }
0x2: {  	[smem:$0x3F9E] =	sst lr;
	_ =	strace $0xD0000000  }
0x3: {  	_ = 	snop  }
0x4: {  	_ = 	snop  }
0x5: {  	_ = 	snop  }
0x6: {  	_ = 	snop  }
0x7: {  	_ = 	snop  }
__scs_overlays_trampoline_lowered:
0x8: {  	[smem:$0x3FAD] =	sst s0  }
0x9: {  	[smem:$0x3FAE] =	sst s1  }
0xa: {  	[smem:$0x3FAF] =	sst s2  }
0xb: {  	[smem:$0x3FB0] =	sst s3  }
0xc: {  	[smem:$0x3FB1] =	sst s4  }
0xd: {  	[smem:$0x3FB2] =	sst s5  }
0xe: {  	[smem:$0x3FB3] =	sst s6  }
0xf: {  	[smem:$0x3FB4] =	sst s7  }
0x10: {  	[smem:$0x3FB5] =	sst s8  }
0x11: {  	[smem:$0x3FB6] =	sst s9;
	s0 =	simm.s32 @!p0 $0x0  }
0x12: {  	s1 =	sld [smem:$0x3F9C];
	s0 =	simm.s32 @p0 $0x1  }
0x13: {  	[smem:$0x3FB7] =	sst s0;
	s0 =	simm.s32 @!p1 $0x0  }
0x14: {  	s2 =	sld [smem:$0x3F9B];
	s0 =	simm.s32 @p1 $0x1  }
0x15: {  	[smem:$0x3FB8] =	sst s0;
	s0 =	simm.s32 @!p2 $0x0  }
0x16: {  	s3 =	sld [smem:$0x3FDB];
	s0 =	simm.s32 @p2 $0x1  }
0x17: {  	s4 =	simm.s32 $0x1BF5;
	[smem:$0x3FBA] =	sst s0  }
0x18: {  	s0 =	sld [smem:$0x3F9D];
	_ =	swait.ge [sflag:s4], $0x0  }
0x19: {  	s7 =	sld [smem:$0x3F9E]  }
0x1a: {  	s8 =	sadd.s32 $0xFFFFE003, lr  }
0x1b: {  	s9 =	sadd.s32 $0xFFFFFEF7, lr;
	s5 =	simm.s32 $0xFFFFFFFF;
	p2 =	slt.u32 s8, $0xFFFFF086  }
0x1c: {  	p1 =	slt.u32 s9, $0xF7A;
	s5 =	simm.s32 @!p2 $0x0  }
0x1d: {  	s5 =	simm.s32 @p1 $0x1;
	p0 =	seq.s32 s7, s2  }
0x1e: {  	s7 =	smul.u32 @!p0 $0xF7A, s2;
	p2 =	seq.s32 @!p0 s5, $0x0  }
0x1f: {  	s9 =	smul.u32 $0xF7A, s1;
	s8 =	simm.s32 @!p0 $0x1BF5;
	p2 =	por !p2, p0  }
0x20: {  	[sflag:s8] =	ssyncset.s32 @!p0 $0xFFFFF086;
	s6 =	sadd.s32 @!p0 s3, s7;
	s7 =	simm.s32 @!p0 $0x108  }
0x21: {  	s3 =	sadd.s32 s3, s9;
	s6 =	sadd.s32 @!p0 $0x88, s6;
	s7 =	simm.s32 @p2 $0x1082  }
0x22: {  	[simem:s7], [sflag:s8] =	dma.local @!p0 [hbm:s6], $0xF7A  }
0x23: {  	s9 =	sor.u32 $0xD0000000, s2;
	s6 =	simm.s32 $0x108;
	_ =	swait.ge @!p0 [sflag:s8], $0x0  }
0x24: {  	s3 =	sadd.s32 $0x88, s3;
	s6 =	simm.s32 @!p1 $0x1082;
	[sflag:s4] =	ssyncset.s32 $0xFFFFF086  }
0x25: {  	[simem:s6], [sflag:s4] =	dma.local [hbm:s3], $0xF7A  }
0x26: {  	[smem:$0x3F9E] =	sst s1;
	(tag) =	ssettag s2;
	_ =	strace s9  }
0x27: {  	s1 =	sld [smem:$0x3FAE]  }
0x28: {  	s2 =	sld [smem:$0x3FAF]  }
0x29: {  	s4 =	sld [smem:$0x3FB1]  }
0x2a: {  	p0 =	seq.s32 s5, $0x0;
	s5 =	sld [smem:$0x3FB2]  }
0x2b: {  	s6 =	sld [smem:$0x3FB3]  }
0x2c: {  	s7 =	sld [smem:$0x3FB4]  }
0x2d: {  	s3 =	simm.s32 $0x108;
	s8 =	sld [smem:$0x3FB5]  }
0x2e: {  	s3 =	simm.s32 @!p0 $0x1082;
	s9 =	sld [smem:$0x3FB6]  }
0x2f: {  	lr =	sadd.s32 s0, s3;
	s0 =	sld [smem:$0x3FAD]  }
0x30: {  	s3 =	sld [smem:$0x3FB0]  }
0x31: {  	[smem:$0x3FB9] =	sst s10  }
0x32: {  	s10 =	sld [smem:$0x3FB7];
	_ =	sdelay $0x3  }
0x33: {  	p0 =	seq.s32 s10, $0x1;
	s10 =	sld [smem:$0x3FB9];
	_ =	sdelay $0x3  }
0x34: {  	[smem:$0x3FB9] =	sst s10  }
0x35: {  	s10 =	sld [smem:$0x3FB8];
	_ =	sdelay $0x3  }
0x36: {  	p1 =	seq.s32 s10, $0x1;
	s10 =	sld [smem:$0x3FB9];
	_ =	sdelay $0x3  }
0x37: {  	[smem:$0x3FB9] =	sst s10  }
0x38: {  	s10 =	sld [smem:$0x3FBA]  }
0x39: {  	_ = 	snop;
	(pc) =	sbr.ind lr, $3  }
0x3a: {  	_ = 	snop  }
0x3b: {  	_ = 	snop  }
0x3c: {  	p2 =	seq.s32 s10, $0x1;
	s10 =	sld [smem:$0x3FB9]  }
0x3d: {  	_ =	shalt  }
0x3e: {  	_ =	shalt  }
0x3f: {  	_ =	shalt  }
0x40: {  	_ =	shalt  }
0x41: {  	_ =	shalt  }
0x42: {  	_ =	shalt  }
0x43: {  	_ =	shalt  }
0x44: {  	_ =	shalt  }
0x45: {  	_ =	shalt  }
0x46: {  	_ =	shalt  }
0x47: {  	_ =	shalt  }
0x48: {  	_ =	shalt  }
0x49: {  	_ =	shalt  }
0x4a: {  	_ =	shalt  }
0x4b: {  	_ =	shalt  }
0x4c: {  	_ =	shalt  }
0x4d: {  	_ =	shalt  }
0x4e: {  	_ =	shalt  }
0x4f: {  	_ =	shalt  }
0x50: {  	_ =	shalt  }
0x51: {  	_ =	shalt  }
0x52: {  	_ =	shalt  }
0x53: {  	_ =	shalt  }
0x54: {  	_ =	shalt  }
0x55: {  	_ =	shalt  }
0x56: {  	_ =	shalt  }
0x57: {  	_ =	shalt  }
0x58: {  	_ =	shalt  }
0x59: {  	_ =	shalt  }
0x5a: {  	_ =	shalt  }
0x5b: {  	_ =	shalt  }
0x5c: {  	_ =	shalt  }
0x5d: {  	_ =	shalt  }
0x5e: {  	_ =	shalt  }
0x5f: {  	_ =	shalt  }
0x60: {  	_ =	shalt  }
0x61: {  	_ =	shalt  }
0x62: {  	_ =	shalt  }
0x63: {  	_ =	shalt  }
0x64: {  	_ =	shalt  }
0x65: {  	_ =	shalt  }
0x66: {  	_ =	shalt  }
0x67: {  	_ =	shalt  }
0x68: {  	_ =	shalt  }
0x69: {  	_ =	shalt  }
0x6a: {  	_ =	shalt  }
0x6b: {  	_ =	shalt  }
0x6c: {  	_ =	shalt  }
0x6d: {  	_ =	shalt  }
0x6e: {  	_ =	shalt  }
0x6f: {  	_ =	shalt  }
0x70: {  	_ =	shalt  }
0x71: {  	_ =	shalt  }
0x72: {  	_ =	shalt  }
0x73: {  	_ =	shalt  }
0x74: {  	_ =	shalt  }
0x75: {  	_ =	shalt  }
0x76: {  	_ =	shalt  }
0x77: {  	_ =	shalt  }
0x78: {  	_ =	shalt  }
0x79: {  	_ =	shalt  }
0x7a: {  	_ =	shalt  }
0x7b: {  	_ =	shalt  }
0x7c: {  	_ =	shalt  }
0x7d: {  	_ =	shalt  }
0x7e: {  	_ =	shalt  }
0x7f: {  	_ =	shalt  }
0x80: {  	_ =	shalt  }
0x81: {  	_ =	shalt  }
0x82: {  	_ =	shalt  }
0x83: {  	_ =	shalt  }
0x84: {  	_ =	shalt  }
0x85: {  	_ =	shalt  }
0x86: {  	_ =	shalt  }
0x87: {  	_ =	shalt  }
.Lfunc_end0:
.L_simem_size_0:
called_computation_lowered:
.L_overlay_start_0:
0x88: {  	s2 =	sld [smem:$0x3FD9]  }
0x89: {  	s3 =	sld [smem:$0x3FFE];
	_ =	sdelay $0x1  }
0x8a: {  	s1 =	srdreg.scid  }
0x8b: {  	s0 =	sand.u32 $0x1, s1  }
0x8c: {  	s17 =	sshll.u32 s0, $0xA;
	s2 =	sadd.s32 s3, s2  }
0x8d: {  	s2 =	sadd.s32 s2, s17  }
0x8e: {  	[smem:$0x3FC5] =	sst s2  }
0x8f: {  	_ = 	snop  }
0x90: {  	s2 =	sld [smem:$0x3FC9]  }
0x91: {  	s18 =	sld [smem:$0x3FD0];
	(tm) =	ssettm $0x1  }
0x92: {  	s4 =	sld [smem:$0x3FFB];
	_ =	sdelay $0x3  }
0x93: {  	_ =	strace s4  }
0x94: {  	s4 =	sld [smem:$0x3FFC];
	_ =	sdelay $0x3  }
0x95: {  	_ =	strace s4  }
0x96: {  	s4 =	sld [smem:$0x3FFD];
	_ =	sdelay $0x3  }
0x97: {  	_ =	strace s4  }
0x98: {  	_ =	strace $0x8FFFFFFF  }
0x99: {  	s19 =	sld [smem:$0x3FDB];
	_ =	sdelay $0x1  }
0x9a: {  	s5 =	simm.s32 $_scs_section_size  }
0x9b: {  	s6 =	simm.s32 $_size__tile_overlayer_lowered;
	s7 =	simm.s32 $_tile_overlayer_lowered  }
0x9c: {  	s22 =	simm.s32 $0x1BFF;
	s21 =	sshll.u32 s7, $0x1;
	s4 =	sadd.s32 s5, s19  }
0x9d: {  	s8 =	simm.s32 $0x0;
	s20 =	sshll.u32 s6, $0x1;
	s6 =	sadd.s32 s21, s4  }
0x9e: {  	[timem:s8], [sflag:s22] =	dma.local [hbm:s6], s20  }
0x9f: {  	_ =	swait.ge [sflag:s22], s20  }
0xa0: {  	s5 =	ssub.s32 $0x0, s20;
	[sflag:s22] =	ssyncset.done $0x0  }
0xa1: {  	[sflag:s22] =	ssyncadd.s32 s5;
	_ =	sdelay $0x1  }
0xa2: {  	s23 =	simm.s32 $0x1B8B  }
0xa3: {  	_ =	swait.ge [sflag:s23], $0x1  }
0xa4: {  	[sflag:s23] =	ssyncset.done $0x0  }
0xa5: {  	s25 =	simm.s32 $0x1B8E;
	s24 =	sld [smem:$0x3FFE];
	[sflag:s23] =	ssyncadd.s32 $0xFFFFFFFF  }
0xa6: {  	s26 =	simm.s32 $execute0_lowered;
	[smem:$0x3FD2] =	sst s25  }
0xa7: {  	s6 =	sshll.u32 s26, $0x1;
	_ =	strace $0x80000046;
	[dreg:$0x1] =	wrdreg $0xFFFFFFFF  }
0xa8: {  	s28 =	simm.s32 $_size_execute0_lowered;
	s4 =	sadd.s32 s4, s6;
	[dreg:$0x0] =	wrdreg $0x0  }
0xa9: {  	s6 =	sshll.u32 s28, $0x1;
	[dreg:$0x2] =	wrdreg s4  }
0xaa: {  	[dreg:$0x3] =	wrdreg s6  }
0xab: {  	[dreg:$0x4] =	wrdreg $0xC0  }
0xac: {  	_ =	task [dreg:s8], $0x5FFFF  }
0xad: {  	[dreg:$0x1] =	wrdreg $0xFFFFFFFF  }
0xae: {  	[dreg:$0x0] =	wrdreg $0x60  }
0xaf: {  	[dreg:$0x2] =	wrdreg s2  }
0xb0: {  	[dreg:$0x3] =	wrdreg s24  }
0xb1: {  	[dreg:$0x4] =	wrdreg s18  }
0xb2: {  	[dreg:$0x5] =	wrdreg $0x69000  }
0xb3: {  	[dreg:$0x6] =	wrdreg $0x9  }
0xb4: {  	_ =	task.clear_ibuf [dreg:s8], $0x7FFFF;
	_ =	strace $0x90000046  }
0xb5: {  	s29 =	simm.s32 $0x9;
	_ =	strace $0x80000048  }
0xb6: {  	_ =	swait.ge [sflag:s29], $0x1  }
0xb7: {  	[sflag:s29] =	ssyncadd.s32 $0xFFFFFFFF  }
0xb8: {  	_ =	strace $0x90000048  }
0xb9: {  	_ =	sfence  }
0xba: {  	s30 =	sld [smem:$0x0];
	_ =	sdelay $0x2  }
0xbb: {  	s31 =	sshll.u32 s1, $0xD;
	s1 =	sshrl.u32 s1, $0x2  }
0xbc: {  	s3 =	sand.u32 $0x4000, s31;
	s1 =	sadd.s32 s1, s30  }
0xbd: {  	s0 =	sor.u32 s3, s0;
	s1 =	sshll.u32 s1, $0x11  }
0xbe: {  	s0 =	sor.u32 s1, s0  }
0xbf: {  	s0 =	sadd.s32 $0x8F2B, s0  }
0xc0: {  	[sflag:s0] =	ssyncadd.remote.s32 $0x1  }
0xc1: {  	_ =	sfence.sel $0xFFFF  }
0xc2: {  	[dreg:$0x0] =	wrdreg $0xFFFFFFFF;
	(pc) =	sbr.abs _section_cstart, $3  }
0xc3: {  	[dreg:$0x1] =	wrdreg $0xFFFFFFFF  }
0xc4: {  	_ =	task.clear_ibuf [dreg:s8], $0x2FFFF;
	_ =	strace $0x9FFFFFFF  }
0xc5: {  	(tm) =	ssettm $0x7FFFFFFF  }
tec
execute0_lowered:
.L_overlay_start_1:
0x0: {  	(tag) =	ssettag $0x1  }
0x1: {  	s1 =	rddreg [dreg:$0x0]  }
0x2: {  	s3 =	rddreg [dreg:$0x1]  }
0x3: {  	s0 =	rddreg [dreg:$0x2]  }
0x4: {  	s2 =	rddreg [dreg:$0x3]  }
0x5: {  	s4 =	srdreg.scid;
	s15 =	stileid.u32  }
0x6: {  	s30 =	simm.s32 $0x5;
	s31 =	simm.s32 $0x6;
	s9 =	sand.u32 $0x1, s4  }
0x7: {  	s4 =	simm.s32 $0x0;
	s7 =	sadd.s32 $0x14200, s3;
	s5 =	sshll.u32 s9, $0x4  }
0x8: {  	s19 =	smul.u32 $0x4E000, s15;
	p0 =	seq.s32 s15, $0xF;
	s5 =	sor.u32 s15, s5  }
0x9: {  	[smem:$0x7FF] =	sst s4;
	s8 =	ssub.s32 $0x2, s9;
	s6 =	smul.u32 $0x2710, s5  }
0xa: {  	_ =	strace $0x80000047;
	s10 =	sshrl.u32 s8, $0x1;
	s5 =	sadd.s32 $0x800, s3  }
0xb: {  	s3 =	ssub.s32 s8, s10;
	s28 =	sshrl.u32 s6, $0x3;
	s29 =	sadd.s32 $0x28, s6  }
0xc: {  	s11 =	sadd.s32 $0x4E228, s6;
	s20 =	sadd.s32 $0x78, s6;
	s21 =	sadd.s32 $0x4E278, s6  }
0xd: {  	s22 =	sadd.s32 $0x4E2C8, s6;
	s23 =	sadd.s32 $0xC8, s6;
	s16 =	sadd.s32 s5, s28  }
0xe: {  	s12 =	sshrl.u32 s11, $0x3;
	s13 =	sadd.s32 $0x9C40, s16;
	[dreg:$0xf] =	wrdreg s16  }
0xf: {  	s10 =	sshrl.u32 s29, $0x3;
	s8 =	sadd.s32 s5, s12;
	[dreg:$0x10] =	wrdreg s13  }
0x10: {  	s11 =	sshrl.u32 s21, $0x3;
	s14 =	sadd.s32 s5, s10;
	[dreg:$0x11] =	wrdreg s8  }
0x11: {  	s21 =	smul.u32 $0x13800, s15;
	s17 =	sadd.s32 $0x9C4A, s16;
	[dreg:$0x12] =	wrdreg s14  }
0x12: {  	s18 =	sadd.s32 $0xA, s16;
	s12 =	smul.u32 $0x27100, s9;
	[dreg:$0x13] =	wrdreg s17  }
0x13: {  	s10 =	sshrl.u32 s20, $0x3;
	s11 =	sadd.s32 s5, s11;
	[dreg:$0x14] =	wrdreg s18  }
0x14: {  	s13 =	smul.u32 $0x2710, s15;
	[dreg:$0x15] =	wrdreg s11;
	s10 =	sadd.s32 s5, s10  }
0x15: {  	s9 =	smul.u32 $0x138800, s9;
	[dreg:$0x16] =	wrdreg s10;
	s10 =	sshrl.u32 s22, $0x3  }
0x16: {  	s8 =	sshrl.u32 s19, $0x2;
	s11 =	sadd.s32 s13, s12;
	s10 =	sadd.s32 s5, s10  }
0x17: {  	s12 =	sshrl.u32 s23, $0x3;
	s23 =	sadd.s32 s21, s9;
	s9 =	sshrl.u32 s9, $0x3  }
0x18: {  	[dreg:$0x17] =	wrdreg s10;
	s24 =	sadd.s32 $0x230, s11;
	s13 =	sadd.s32 $0x4E430, s11  }
0x19: {  	s26 =	sadd.s32 $0x208, s11;
	s29 =	sadd.s32 $0x4E408, s11;
	s14 =	sadd.s32 $0x1E0, s11  }
0x1a: {  	s18 =	sadd.s32 $0x4E3E0, s11;
	s20 =	sadd.s32 $0x1B8, s11;
	s12 =	sadd.s32 s5, s12  }
0x1b: {  	s10 =	sshrl.u32 s24, $0x3;
	s13 =	sshrl.u32 s13, $0x3;
	s28 =	sshrl.u32 s26, $0x3  }
0x1c: {  	s19 =	sshrl.u32 s18, $0x3;
	[dreg:$0x18] =	wrdreg s12;
	s18 =	sadd.s32 $0x9C54, s16  }
0x1d: {  	s12 =	sshrl.u32 s23, $0x3;
	s23 =	sadd.s32 $0x14, s16;
	[dreg:$0x1e] =	wrdreg s18  }
0x1e: {  	s14 =	sshrl.u32 s14, $0x3;
	s10 =	sadd.s32 s10, s5;
	[smem:$0x7F8] =	sst s23  }
0x1f: {  	s24 =	sadd.s32 $0x4E3B8, s11;
	s25 =	sadd.s32 s13, s5;
	[dreg:$0x5] =	wrdreg s10  }
0x20: {  	s26 =	sadd.s32 $0x190, s11;
	s17 =	sadd.s32 s14, s5;
	[dreg:$0x6] =	wrdreg s25  }
0x21: {  	s12 =	sadd.s32 s7, s12;
	s7 =	sadd.s32 s7, s9;
	[dreg:$0x9] =	wrdreg s17  }
0x22: {  	s9 =	sshrl.u32 s26, $0x3;
	s26 =	sadd.s32 $0x1E, s16;
	[dreg:$0x19] =	wrdreg s12  }
0x23: {  	s13 =	sshrl.u32 s29, $0x3;
	s10 =	sadd.s32 s28, s5;
	[smem:$0x7FB] =	sst s26  }
0x24: {  	s23 =	simm.s32 $0xF;
	s13 =	sadd.s32 s13, s5;
	[dreg:$0x7] =	wrdreg s10  }
0x25: {  	s25 =	sadd.s32 $0x4E318, s6;
	s9 =	sadd.s32 s9, s5;
	[dreg:$0x8] =	wrdreg s13  }
0x26: {  	s28 =	sadd.s32 $0x118, s6;
	s21 =	sadd.s32 $0x24900, s7;
	[dreg:$0xd] =	wrdreg s9  }
0x27: {  	s17 =	smul.u32 $0x2700, s15;
	s10 =	sadd.s32 s19, s5;
	[smem:$0x7F6] =	sst s21  }
0x28: {  	s13 =	sshrl.u32 s20, $0x3;
	s19 =	sadd.s32 s8, s2;
	[dreg:$0xa] =	wrdreg s10  }
0x29: {  	s29 =	sshrl.u32 s25, $0x3;
	s25 =	sadd.s32 $0x9C5E, s16;
	[dreg:$0x1f] =	wrdreg s19  }
0x2a: {  	s15 =	simm.s32 $0x28;
	s22 =	sadd.s32 s13, s5;
	[smem:$0x7FA] =	sst s25  }
0x2b: {  	s21 =	simm.s32 $0xE;
	s12 =	sadd.s32 s5, s29;
	[dreg:$0xb] =	wrdreg s22  }
0x2c: {  	s10 =	sshrl.u32 s24, $0x3;
	s20 =	sadd.s32 s0, s17;
	[dreg:$0x1a] =	wrdreg s12  }
0x2d: {  	s13 =	sadd.s32 $0x4E390, s11;
	s0 =	sadd.s32 $0x24900, s0;
	[smem:$0x7F4] =	sst s20  }
0x2e: {  	s24 =	sadd.s32 $0x124800, s2;
	s29 =	sadd.s32 $0x28, s16;
	[smem:$0x7F5] =	sst s0  }
0x2f: {  	s17 =	simm.s32 $0xC;
	s19 =	simm.s32 $0xD;
	[smem:$0x7F9] =	sst s24  }
0x30: {  	s10 =	sadd.s32 s10, s5;
	s12 =	sadd.s32 $0x4E368, s6;
	[smem:$0x7FD] =	sst s29  }
0x31: {  	s6 =	sadd.s32 $0x168, s6;
	s22 =	smax.u32 s3, $0x1;
	[dreg:$0xc] =	wrdreg s10  }
0x32: {  	s10 =	sshrl.u32 s28, $0x3;
	[smem:$0x7F7] =	sst s22;
	s28 =	sadd.s32 $0x9C68, s16  }
0x33: {  	s9 =	sshrl.u32 s12, $0x3;
	s10 =	sadd.s32 s5, s10;
	[smem:$0x7FC] =	sst s28  }
0x34: {  	s6 =	sshrl.u32 s6, $0x3;
	s9 =	sadd.s32 s5, s9;
	[dreg:$0x1b] =	wrdreg s10  }
0x35: {  	s14 =	sshrl.u32 s13, $0x3;
	s6 =	sadd.s32 s5, s6;
	[dreg:$0x1c] =	wrdreg s9  }
0x36: {  	s0 =	simm.s32 $0x7;
	s5 =	sadd.s32 s14, s5;
	[dreg:$0x1d] =	wrdreg s6  }
0x37: {  	s3 =	simm.s32 $0x9;
	s14 =	simm.s32 $0xB;
	[dreg:$0xe] =	wrdreg s5  }
0x38: {  	s5 =	simm.s32 $0x8;
	s6 =	simm.s32 $0xA;
	s9 =	simm.s32 $0x0  }
.LBB2_1:
0x39: {  	[smem:$0x7F0] =	sst s9  }
0x3a: {  	s7 =	rddreg [dreg:$0x10]  }
0x3b: {  	s25 =	rddreg [dreg:$0xf]  }
0x3c: {  	s26 =	rddreg [dreg:$0x11]  }
0x3d: {  	s28 =	rddreg [dreg:$0x12]  }
0x3e: {  	[tilespmem:s4], [sflag:$0xB] =	stream.linear.gather [hbm4b:s7+s4], $0x28, $0x38;
	[tilespmem:$0x1A180] =	vst v63  }
0x3f: {  	s12 =	simm.s32 $0x280;
	s29 =	rddreg [dreg:$0x13]  }
0x40: {  	[tilespmem:s12], [sflag:$0xB] =	stream.linear.gather [hbm4b:s25+s4], $0x28, $0x38;
	[tilespmem:$0x1A180] =	vst v63  }
0x41: {  	s13 =	simm.s32 $0x80;
	s9 =	rddreg [dreg:$0x14]  }
0x42: {  	[tilespmem:s13], [sflag:$0xC] =	stream.linear.gather [hbm4b:s26+s4], $0x28, $0x38;
	[tilespmem:$0x1A180] =	vst v63  }
0x43: {  	s16 =	simm.s32 $0x300;
	s11 =	rddreg [dreg:$0x15]  }
0x44: {  	[tilespmem:s16], [sflag:$0xC] =	stream.linear.gather [hbm4b:s28+s4], $0x28, $0x38;
	[tilespmem:$0x1A180] =	vst v63  }
0x45: {  	s8 =	simm.s32 $0x100;
	s22 =	rddreg [dreg:$0x16]  }
0x46: {  	[tilespmem:s8], [sflag:$0xD] =	stream.linear.gather [hbm4b:s29+s4], $0x28, $0x38;
	[tilespmem:$0x1A180] =	vst v63  }
0x47: {  	s10 =	simm.s32 $0x380;
	s7 =	sld [smem:$0x7F9]  }
0x48: {  	[tilespmem:s10], [sflag:$0xD] =	stream.linear.gather [hbm4b:s9+s4], $0x28, $0x38;
	[tilespmem:$0x1A180] =	vst v63  }
0x49: {  	s20 =	simm.s32 $0x180;
	s25 =	rddreg [dreg:$0x1e]  }
0x4a: {  	[tilespmem:s20], [sflag:$0xE] =	stream.linear.gather [hbm4b:s11+s4], $0x28, $0x38;
	[tilespmem:$0x1A180] =	vst v63  }
0x4b: {  	s24 =	simm.s32 $0x400;
	s28 =	sld [smem:$0x7F8]  }
0x4c: {  	[tilespmem:s24], [sflag:$0xE] =	stream.linear.gather [hbm4b:s22+s4], $0x28, $0x38;
	[tilespmem:$0x1A180] =	vst v63  }
0x4d: {  	s26 =	simm.s32 $0x200;
	s8 =	sld [smem:$0x7F5];
	s9 =	sshrl.u32 @p0 s7, $0x3  }
0x4e: {  	[tilespmem:s26], [sflag:$0xF] =	stream.linear.gather [hbm4b:s25+s4], $0x28, $0x38;
	[tilespmem:$0x1A180] =	vst v63  }
0x4f: {  	s29 =	simm.s32 $0x480;
	s7 =	simm.s32 @p0 $0x1FD0;
	[smem:$0x7F1] =	sst s9  }
0x50: {  	[tilespmem:s29], [sflag:$0xF] =	stream.linear.gather [hbm4b:s28+s4], $0x28, $0x38;
	[tilespmem:$0x1A180] =	vst v63  }
0x51: {  	[spmem:s9], [sflag:s7] =	dma.local @p0 [hbm:s8], $0x2800  }
0x52: {  	s7 =	stileid.u32;
	s8 =	rddreg [dreg:$0x1f]  }
0x53: {  	s7 =	sshll.u32 @!p0 s7, $0x6;
	s9 =	sshrl.u32 @!p0 s8, $0x3;
	s8 =	sld [smem:$0x7F4]  }
0x54: {  	[smem:$0x7F2] =	sst s7  }
0x55: {  	s7 =	sor.u32 @!p0 $0x1C10, s7;
	[smem:$0x7F3] =	sst s9  }
0x56: {  	[spmem:s9], [sflag:s7] =	dma.local @!p0 [hbm:s8], $0x2700  }
0x57: {  	_ =	swait.ge [sflag:s14], $0x28  }
0x58: {  	[sflag:s14] =	ssyncset.done $0x0  }
0x59: {  	[sflag:s14] =	ssyncadd.s32 $0xFFFFFFD8  }
0x5a: {  	_ =	swait.ge [sflag:s14], $0x28  }
0x5b: {  	[sflag:s14] =	ssyncset.done $0x0  }
0x5c: {  	s24 =	simm.s32 $0x500;
	[sflag:s14] =	ssyncadd.s32 $0xFFFFFFD8  }
0x5d: {  	[tilespmem:s24], [sflag:$0x1] =	stream.indirect.gather [hbm4b:s1+s15], $0x80, s4, s15, $0xb8;
	[tilespmem:$0x1A180] =	vst v63  }
0x5e: {  	_ =	swait.ge [sflag:s17], $0x28  }
0x5f: {  	[sflag:s17] =	ssyncset.done $0x0  }
0x60: {  	[sflag:s17] =	ssyncadd.s32 $0xFFFFFFD8  }
0x61: {  	_ =	swait.ge [sflag:s17], $0x28  }
0x62: {  	[sflag:s17] =	ssyncset.done $0x0  }
0x63: {  	s25 =	simm.s32 $0x1900;
	[sflag:s17] =	ssyncadd.s32 $0xFFFFFFD8  }
0x64: {  	[tilespmem:s25], [sflag:$0x2] =	stream.indirect.gather [hbm4b:s1+s15], $0x80, s13, s15, $0xb8;
	[tilespmem:$0x1A180] =	vst v63  }
0x65: {  	_ =	swait.ge [sflag:s19], $0x28  }
0x66: {  	[sflag:s19] =	ssyncset.done $0x0  }
0x67: {  	[sflag:s19] =	ssyncadd.s32 $0xFFFFFFD8  }
0x68: {  	_ =	swait.ge [sflag:s19], $0x28  }
0x69: {  	[sflag:s19] =	ssyncset.done $0x0  }
0x6a: {  	s18 =	simm.s32 $0x100;
	s26 =	simm.s32 $0x2D00;
	[sflag:s19] =	ssyncadd.s32 $0xFFFFFFD8  }
0x6b: {  	[tilespmem:s26], [sflag:$0x3] =	stream.indirect.gather [hbm4b:s1+s15], $0x80, s18, s15, $0xb8;
	[tilespmem:$0x1A180] =	vst v63  }
0x6c: {  	_ =	swait.ge [sflag:s21], $0x28  }
0x6d: {  	[sflag:s21] =	ssyncset.done $0x0  }
0x6e: {  	[sflag:s21] =	ssyncadd.s32 $0xFFFFFFD8  }
0x6f: {  	_ =	swait.ge [sflag:s21], $0x28  }
0x70: {  	[sflag:s21] =	ssyncset.done $0x0  }
0x71: {  	s11 =	simm.s32 $0x180;
	s22 =	simm.s32 $0x4100;
	[sflag:s21] =	ssyncadd.s32 $0xFFFFFFD8  }
0x72: {  	[tilespmem:s22], [sflag:$0x4] =	stream.indirect.gather [hbm4b:s1+s15], $0x80, s11, s15, $0xb8;
	[tilespmem:$0x1A180] =	vst v63  }
0x73: {  	_ =	swait.ge [sflag:s23], $0x28  }
0x74: {  	[sflag:s23] =	ssyncset.done $0x0  }
0x75: {  	[sflag:s23] =	ssyncadd.s32 $0xFFFFFFD8  }
0x76: {  	_ =	swait.ge [sflag:s23], $0x28  }
0x77: {  	s10 =	simm.s32 $0x200;
	[sflag:s23] =	ssyncset.done $0x0  }
0x78: {  	s9 =	simm.s32 $0x5500;
	s7 =	simm.s32 @p0 $0x10;
	[sflag:s23] =	ssyncadd.s32 $0xFFFFFFD8  }
0x79: {  	[tilespmem:s9], [sflag:$0x5] =	stream.indirect.gather [hbm4b:s1+s15], $0x80, s10, s15, $0xb8;
	[tilespmem:$0x1A180] =	vst v63  }
0x7a: {  	_ =	swait.ge @p0 [sflag:s7], $0x2800  }
0x7b: {  	[sflag:s7] =	ssyncset.done @p0 $0x0  }
0x7c: {  	[sflag:s7] =	ssyncadd.s32 @p0 $0xFFFFD800;
	s7 =	simm.s32 @!p0 $0x10  }
0x7d: {  	_ =	swait.ge @!p0 [sflag:s7], $0x2700  }
0x7e: {  	[sflag:s7] =	ssyncset.done @!p0 $0x0  }
0x7f: {  	[sflag:s7] =	ssyncadd.s32 @!p0 $0xFFFFD900  }
0x80: {  	s9 =	simm.s32 $0x1;
	[bflag:$0x0] =	sbarrier.arrive $0xFFFF  }
0x81: {  	_ =	swait.ge [sflag:s9], $0x1400  }
0x82: {  	[sflag:s9] =	ssyncset.done $0x0  }
0x83: {  	[sflag:s9] =	ssyncadd.s32 $0xFFFFEC00  }
0x84: {  	[spmem:s2] =	stream.indirect.scatter.add.f32 [tilespmem:s24], [sflag:$0x6], $0x80, s12, s15, $0xb8;
	[tilespmem:$0x1A180] =	vst v63  }
0x85: {  	s11 =	rddreg [dreg:$0x17]  }
0x86: {  	[tilespmem:s4], [sflag:$0xB] =	stream.linear.gather [hbm4b:s11+s4], $0x28, $0x38;
	[tilespmem:$0x1A180] =	vst v63  }
0x87: {  	s29 =	rddreg [dreg:$0x18]  }
0x88: {  	[tilespmem:s12], [sflag:$0xB] =	stream.linear.gather [hbm4b:s29+s4], $0x28, $0x38;
	[tilespmem:$0x1A180] =	vst v63  }
0x89: {  	s29 =	simm.s32 $0x2  }
0x8a: {  	_ =	swait.ge [sflag:s29], $0x1400  }
0x8b: {  	[sflag:s29] =	ssyncset.done $0x0  }
0x8c: {  	s8 =	sld [smem:$0x7FA];
	[sflag:s29] =	ssyncadd.s32 $0xFFFFEC00  }
0x8d: {  	[spmem:s2] =	stream.indirect.scatter.add.f32 [tilespmem:s25], [sflag:$0x7], $0x80, s16, s15, $0xb8;
	[tilespmem:$0x1A180] =	vst v63  }
0x8e: {  	s10 =	sld [smem:$0x7FB]  }
0x8f: {  	[tilespmem:s13], [sflag:$0xC] =	stream.linear.gather [hbm4b:s8+s4], $0x28, $0x38;
	[tilespmem:$0x1A180] =	vst v63  }
0x90: {  	_ = 	snop  }
0x91: {  	[tilespmem:s16], [sflag:$0xC] =	stream.linear.gather [hbm4b:s10+s4], $0x28, $0x38;
	[tilespmem:$0x1A180] =	vst v63  }
0x92: {  	s10 =	simm.s32 $0x3  }
0x93: {  	_ =	swait.ge [sflag:s10], $0x1400  }
0x94: {  	[sflag:s10] =	ssyncset.done $0x0  }
0x95: {  	s8 =	simm.s32 $0x380;
	[sflag:s10] =	ssyncadd.s32 $0xFFFFEC00  }
0x96: {  	[spmem:s2] =	stream.indirect.scatter.add.f32 [tilespmem:s26], [sflag:$0x8], $0x80, s8, s15, $0xb8;
	[tilespmem:$0x1A180] =	vst v63  }
0x97: {  	s28 =	simm.s32 $0x100;
	s11 =	rddreg [dreg:$0x1a]  }
0x98: {  	[tilespmem:s28], [sflag:$0xD] =	stream.linear.gather [hbm4b:s11+s4], $0x28, $0x38;
	[tilespmem:$0x1A180] =	vst v63  }
0x99: {  	s11 =	rddreg [dreg:$0x1b]  }
0x9a: {  	[tilespmem:s8], [sflag:$0xD] =	stream.linear.gather [hbm4b:s11+s4], $0x28, $0x38;
	[tilespmem:$0x1A180] =	vst v63  }
0x9b: {  	s11 =	simm.s32 $0x4  }
0x9c: {  	_ =	swait.ge [sflag:s11], $0x1400  }
0x9d: {  	[sflag:s11] =	ssyncset.done $0x0  }
0x9e: {  	s8 =	simm.s32 $0x400;
	s7 =	sld [smem:$0x7FC];
	[sflag:s11] =	ssyncadd.s32 $0xFFFFEC00  }
0x9f: {  	[spmem:s2] =	stream.indirect.scatter.add.f32 [tilespmem:s22], [sflag:$0x9], $0x80, s8, s15, $0xb8;
	[tilespmem:$0x1A180] =	vst v63  }
0xa0: {  	s28 =	simm.s32 $0x180  }
0xa1: {  	[tilespmem:s28], [sflag:$0xE] =	stream.linear.gather [hbm4b:s7+s4], $0x28, $0x38;
	[tilespmem:$0x1A180] =	vst v63  }
0xa2: {  	s28 =	sld [smem:$0x7FD];
	_ =	sdelay $0x2  }
0xa3: {  	[tilespmem:s8], [sflag:$0xE] =	stream.linear.gather [hbm4b:s28+s4], $0x28, $0x38;
	[tilespmem:$0x1A180] =	vst v63  }
0xa4: {  	_ =	swait.ge [sflag:s30], $0x1400  }
0xa5: {  	[sflag:s30] =	ssyncset.done $0x0  }
0xa6: {  	s18 =	simm.s32 $0x5500;
	s8 =	simm.s32 $0x480;
	[sflag:s30] =	ssyncadd.s32 $0xFFFFEC00  }
0xa7: {  	[spmem:s2] =	stream.indirect.scatter.add.f32 [tilespmem:s18], [sflag:$0xA], $0x80, s8, s15, $0xb8;
	[tilespmem:$0x1A180] =	vst v63  }
0xa8: {  	s20 =	simm.s32 $0x200;
	s18 =	rddreg [dreg:$0x1c]  }
0xa9: {  	[tilespmem:s20], [sflag:$0xF] =	stream.linear.gather [hbm4b:s18+s4], $0x28, $0x38;
	[tilespmem:$0x1A180] =	vst v63  }
0xaa: {  	s28 =	rddreg [dreg:$0x1d]  }
0xab: {  	[tilespmem:s8], [sflag:$0xF] =	stream.linear.gather [hbm4b:s28+s4], $0x28, $0x38;
	[tilespmem:$0x1A180] =	vst v63  }
0xac: {  	_ =	swait.ge [sflag:s31], $0x1400  }
0xad: {  	[sflag:s31] =	ssyncset.done $0x0  }
0xae: {  	[sflag:s31] =	ssyncadd.s32 $0xFFFFEC00  }
0xaf: {  	_ =	swait.ge [sflag:s14], $0x28  }
0xb0: {  	[sflag:s14] =	ssyncset.done $0x0  }
0xb1: {  	[sflag:s14] =	ssyncadd.s32 $0xFFFFFFD8  }
0xb2: {  	_ =	swait.ge [sflag:s14], $0x28  }
0xb3: {  	[sflag:s14] =	ssyncset.done $0x0  }
0xb4: {  	[sflag:s14] =	ssyncadd.s32 $0xFFFFFFD8  }
0xb5: {  	[tilespmem:s24], [sflag:$0x1] =	stream.indirect.gather [hbm4b:s1+s15], $0x80, s4, s15, $0xb8;
	[tilespmem:$0x1A180] =	vst v63  }
0xb6: {  	_ =	swait.ge [sflag:s0], $0x1400  }
0xb7: {  	[sflag:s0] =	ssyncset.done $0x0  }
0xb8: {  	[sflag:s0] =	ssyncadd.s32 $0xFFFFEC00  }
0xb9: {  	_ =	swait.ge [sflag:s17], $0x28  }
0xba: {  	[sflag:s17] =	ssyncset.done $0x0  }
0xbb: {  	[sflag:s17] =	ssyncadd.s32 $0xFFFFFFD8  }
0xbc: {  	_ =	swait.ge [sflag:s17], $0x28  }
0xbd: {  	[sflag:s17] =	ssyncset.done $0x0  }
0xbe: {  	[sflag:s17] =	ssyncadd.s32 $0xFFFFFFD8  }
0xbf: {  	[tilespmem:s25], [sflag:$0x2] =	stream.indirect.gather [hbm4b:s1+s15], $0x80, s13, s15, $0xb8;
	[tilespmem:$0x1A180] =	vst v63  }
0xc0: {  	_ =	swait.ge [sflag:s5], $0x1400  }
0xc1: {  	[sflag:s5] =	ssyncset.done $0x0  }
0xc2: {  	[sflag:s5] =	ssyncadd.s32 $0xFFFFEC00  }
0xc3: {  	_ =	swait.ge [sflag:s19], $0x28  }
0xc4: {  	[sflag:s19] =	ssyncset.done $0x0  }
0xc5: {  	[sflag:s19] =	ssyncadd.s32 $0xFFFFFFD8  }
0xc6: {  	_ =	swait.ge [sflag:s19], $0x28  }
0xc7: {  	[sflag:s19] =	ssyncset.done $0x0  }
0xc8: {  	s28 =	simm.s32 $0x100;
	[sflag:s19] =	ssyncadd.s32 $0xFFFFFFD8  }
0xc9: {  	[tilespmem:s26], [sflag:$0x3] =	stream.indirect.gather [hbm4b:s1+s15], $0x80, s28, s15, $0xb8;
	[tilespmem:$0x1A180] =	vst v63  }
0xca: {  	_ =	swait.ge [sflag:s3], $0x1400  }
0xcb: {  	[sflag:s3] =	ssyncset.done $0x0  }
0xcc: {  	[sflag:s3] =	ssyncadd.s32 $0xFFFFEC00  }
0xcd: {  	_ =	swait.ge [sflag:s21], $0x28  }
0xce: {  	[sflag:s21] =	ssyncset.done $0x0  }
0xcf: {  	[sflag:s21] =	ssyncadd.s32 $0xFFFFFFD8  }
0xd0: {  	_ =	swait.ge [sflag:s21], $0x28  }
0xd1: {  	[sflag:s21] =	ssyncset.done $0x0  }
0xd2: {  	s20 =	simm.s32 $0x180;
	[sflag:s21] =	ssyncadd.s32 $0xFFFFFFD8  }
0xd3: {  	[tilespmem:s22], [sflag:$0x4] =	stream.indirect.gather [hbm4b:s1+s15], $0x80, s20, s15, $0xb8;
	[tilespmem:$0x1A180] =	vst v63  }
0xd4: {  	_ =	swait.ge [sflag:s6], $0x1400  }
0xd5: {  	[sflag:s6] =	ssyncset.done $0x0  }
0xd6: {  	[sflag:s6] =	ssyncadd.s32 $0xFFFFEC00  }
0xd7: {  	_ =	swait.ge [sflag:s23], $0x28  }
0xd8: {  	[sflag:s23] =	ssyncset.done $0x0  }
0xd9: {  	[sflag:s23] =	ssyncadd.s32 $0xFFFFFFD8  }
0xda: {  	_ =	swait.ge [sflag:s23], $0x28  }
0xdb: {  	[sflag:s23] =	ssyncset.done $0x0  }
0xdc: {  	s18 =	simm.s32 $0x200;
	s8 =	simm.s32 $0x5500;
	[sflag:s23] =	ssyncadd.s32 $0xFFFFFFD8  }
0xdd: {  	[tilespmem:s8], [sflag:$0x5] =	stream.indirect.gather [hbm4b:s1+s15], $0x80, s18, s15, $0xb8;
	[tilespmem:$0x1A180] =	vst v63  }
0xde: {  	_ =	swait.ge [sflag:s9], $0x1400  }
0xdf: {  	[sflag:s9] =	ssyncset.done $0x0  }
0xe0: {  	s8 =	rddreg [dreg:$0xe];
	[sflag:s9] =	ssyncadd.s32 $0xFFFFEC00  }
0xe1: {  	[spmem:s2] =	stream.indirect.scatter.add.f32 [tilespmem:s24], [sflag:$0x6], $0x80, s12, s15, $0xb8;
	[tilespmem:$0x1A180] =	vst v63  }
0xe2: {  	s9 =	rddreg [dreg:$0xd];
	s7 =	sadd.s32 $0x0, s8  }
0xe3: {  	[tilespmem:s4], [sflag:$0xB] =	stream.linear.gather [hbm4b:s7+s4], $0x28, $0x38;
	[tilespmem:$0x1A180] =	vst v63  }
0xe4: {  	s8 =	sadd.s32 $0x0, s9  }
0xe5: {  	[tilespmem:s12], [sflag:$0xB] =	stream.linear.gather [hbm4b:s8+s4], $0x28, $0x38;
	[tilespmem:$0x1A180] =	vst v63  }
0xe6: {  	_ =	swait.ge [sflag:s29], $0x1400  }
0xe7: {  	[sflag:s29] =	ssyncset.done $0x0  }
0xe8: {  	s9 =	rddreg [dreg:$0xc];
	[sflag:s29] =	ssyncadd.s32 $0xFFFFEC00  }
0xe9: {  	[spmem:s2] =	stream.indirect.scatter.add.f32 [tilespmem:s25], [sflag:$0x7], $0x80, s16, s15, $0xb8;
	[tilespmem:$0x1A180] =	vst v63  }
0xea: {  	s12 =	rddreg [dreg:$0xb];
	s7 =	sadd.s32 $0x0, s9  }
0xeb: {  	[tilespmem:s13], [sflag:$0xC] =	stream.linear.gather [hbm4b:s7+s4], $0x28, $0x38;
	[tilespmem:$0x1A180] =	vst v63  }
0xec: {  	s13 =	sadd.s32 $0x0, s12  }
0xed: {  	[tilespmem:s16], [sflag:$0xC] =	stream.linear.gather [hbm4b:s13+s4], $0x28, $0x38;
	[tilespmem:$0x1A180] =	vst v63  }
0xee: {  	_ =	swait.ge [sflag:s10], $0x1400  }
0xef: {  	[sflag:s10] =	ssyncset.done $0x0  }
0xf0: {  	s29 =	simm.s32 $0x380;
	s24 =	rddreg [dreg:$0xa];
	[sflag:s10] =	ssyncadd.s32 $0xFFFFEC00  }
0xf1: {  	[spmem:s2] =	stream.indirect.scatter.add.f32 [tilespmem:s26], [sflag:$0x8], $0x80, s29, s15, $0xb8;
	[tilespmem:$0x1A180] =	vst v63  }
0xf2: {  	s25 =	rddreg [dreg:$0x9];
	s7 =	sadd.s32 $0x0, s24  }
0xf3: {  	[tilespmem:s28], [sflag:$0xD] =	stream.linear.gather [hbm4b:s7+s4], $0x28, $0x38;
	[tilespmem:$0x1A180] =	vst v63  }
0xf4: {  	s10 =	sadd.s32 $0x0, s25  }
0xf5: {  	[tilespmem:s29], [sflag:$0xD] =	stream.linear.gather [hbm4b:s10+s4], $0x28, $0x38;
	[tilespmem:$0x1A180] =	vst v63  }
0xf6: {  	_ =	swait.ge [sflag:s11], $0x1400  }
0xf7: {  	[sflag:s11] =	ssyncset.done $0x0  }
0xf8: {  	s16 =	simm.s32 $0x400;
	s12 =	rddreg [dreg:$0x8];
	[sflag:s11] =	ssyncadd.s32 $0xFFFFEC00  }
0xf9: {  	[spmem:s2] =	stream.indirect.scatter.add.f32 [tilespmem:s22], [sflag:$0x9], $0x80, s16, s15, $0xb8;
	[tilespmem:$0x1A180] =	vst v63  }
0xfa: {  	s20 =	simm.s32 $0x180;
	s13 =	rddreg [dreg:$0x7];
	s7 =	sadd.s32 $0x0, s12  }
0xfb: {  	[tilespmem:s20], [sflag:$0xE] =	stream.linear.gather [hbm4b:s7+s4], $0x28, $0x38;
	[tilespmem:$0x1A180] =	vst v63  }
0xfc: {  	s24 =	sadd.s32 $0x0, s13  }
0xfd: {  	[tilespmem:s16], [sflag:$0xE] =	stream.linear.gather [hbm4b:s24+s4], $0x28, $0x38;
	[tilespmem:$0x1A180] =	vst v63  }
0xfe: {  	_ =	swait.ge [sflag:s30], $0x1400  }
0xff: {  	s18 =	simm.s32 $0x5500;
	[sflag:s30] =	ssyncset.done $0x0  }
0x100: {  	s26 =	simm.s32 $0x480;
	s25 =	rddreg [dreg:$0x6];
	[sflag:s30] =	ssyncadd.s32 $0xFFFFEC00  }
0x101: {  	[spmem:s2] =	stream.indirect.scatter.add.f32 [tilespmem:s18], [sflag:$0xA], $0x80, s26, s15, $0xb8;
	[tilespmem:$0x1A180] =	vst v63  }
0x102: {  	s29 =	simm.s32 $0x200;
	s28 =	rddreg [dreg:$0x5];
	s7 =	sadd.s32 $0x0, s25  }
0x103: {  	[tilespmem:s29], [sflag:$0xF] =	stream.linear.gather [hbm4b:s7+s4], $0x28, $0x38;
	[tilespmem:$0x1A180] =	vst v63  }
0x104: {  	s8 =	sadd.s32 $0x0, s28;
	s7 =	simm.s32 $0x19  }
.LBB2_2:
0x105: {  	s26 =	simm.s32 $0x480  }
0x106: {  	[tilespmem:s26], [sflag:$0xF] =	stream.linear.gather [hbm4b:s8+s4], $0x28, $0x38;
	[tilespmem:$0x1A180] =	vst v63  }
0x107: {  	_ =	swait.ge [sflag:s31], $0x1400  }
0x108: {  	[sflag:s31] =	ssyncset.done $0x0  }
0x109: {  	[sflag:s31] =	ssyncadd.s32 $0xFFFFEC00  }
0x10a: {  	_ =	swait.ge [sflag:s14], $0x28  }
0x10b: {  	[sflag:s14] =	ssyncset.done $0x0  }
0x10c: {  	[sflag:s14] =	ssyncadd.s32 $0xFFFFFFD8  }
0x10d: {  	_ =	swait.ge [sflag:s14], $0x28  }
0x10e: {  	[sflag:s14] =	ssyncset.done $0x0  }
0x10f: {  	s11 =	simm.s32 $0x500;
	[sflag:s14] =	ssyncadd.s32 $0xFFFFFFD8  }
0x110: {  	[tilespmem:s11], [sflag:$0x1] =	stream.indirect.gather [hbm4b:s1+s15], $0x80, s4, s15, $0xb8;
	[tilespmem:$0x1A180] =	vst v63  }
0x111: {  	_ =	swait.ge [sflag:s0], $0x1400  }
0x112: {  	[sflag:s0] =	ssyncset.done $0x0  }
0x113: {  	[sflag:s0] =	ssyncadd.s32 $0xFFFFEC00  }
0x114: {  	_ =	swait.ge [sflag:s17], $0x28  }
0x115: {  	[sflag:s17] =	ssyncset.done $0x0  }
0x116: {  	[sflag:s17] =	ssyncadd.s32 $0xFFFFFFD8  }
0x117: {  	_ =	swait.ge [sflag:s17], $0x28  }
0x118: {  	[sflag:s17] =	ssyncset.done $0x0  }
0x119: {  	s13 =	simm.s32 $0x80;
	s20 =	simm.s32 $0x1900;
	[sflag:s17] =	ssyncadd.s32 $0xFFFFFFD8  }
0x11a: {  	[tilespmem:s20], [sflag:$0x2] =	stream.indirect.gather [hbm4b:s1+s15], $0x80, s13, s15, $0xb8;
	[tilespmem:$0x1A180] =	vst v63  }
0x11b: {  	_ =	swait.ge [sflag:s5], $0x1400  }
0x11c: {  	[sflag:s5] =	ssyncset.done $0x0  }
0x11d: {  	[sflag:s5] =	ssyncadd.s32 $0xFFFFEC00  }
0x11e: {  	_ =	swait.ge [sflag:s19], $0x28  }
0x11f: {  	[sflag:s19] =	ssyncset.done $0x0  }
0x120: {  	[sflag:s19] =	ssyncadd.s32 $0xFFFFFFD8  }
0x121: {  	_ =	swait.ge [sflag:s19], $0x28  }
0x122: {  	[sflag:s19] =	ssyncset.done $0x0  }
0x123: {  	s18 =	simm.s32 $0x100;
	s24 =	simm.s32 $0x2D00;
	[sflag:s19] =	ssyncadd.s32 $0xFFFFFFD8  }
0x124: {  	[tilespmem:s24], [sflag:$0x3] =	stream.indirect.gather [hbm4b:s1+s15], $0x80, s18, s15, $0xb8;
	[tilespmem:$0x1A180] =	vst v63  }
0x125: {  	_ =	swait.ge [sflag:s3], $0x1400  }
0x126: {  	[sflag:s3] =	ssyncset.done $0x0  }
0x127: {  	[sflag:s3] =	ssyncadd.s32 $0xFFFFEC00  }
0x128: {  	_ =	swait.ge [sflag:s21], $0x28  }
0x129: {  	[sflag:s21] =	ssyncset.done $0x0  }
0x12a: {  	[sflag:s21] =	ssyncadd.s32 $0xFFFFFFD8  }
0x12b: {  	_ =	swait.ge [sflag:s21], $0x28  }
0x12c: {  	[sflag:s21] =	ssyncset.done $0x0  }
0x12d: {  	s22 =	simm.s32 $0x180;
	s28 =	simm.s32 $0x4100;
	[sflag:s21] =	ssyncadd.s32 $0xFFFFFFD8  }
0x12e: {  	[tilespmem:s28], [sflag:$0x4] =	stream.indirect.gather [hbm4b:s1+s15], $0x80, s22, s15, $0xb8;
	[tilespmem:$0x1A180] =	vst v63  }
0x12f: {  	_ =	swait.ge [sflag:s6], $0x1400  }
0x130: {  	[sflag:s6] =	ssyncset.done $0x0  }
0x131: {  	[sflag:s6] =	ssyncadd.s32 $0xFFFFEC00  }
0x132: {  	_ =	swait.ge [sflag:s23], $0x28  }
0x133: {  	[sflag:s23] =	ssyncset.done $0x0  }
0x134: {  	[sflag:s23] =	ssyncadd.s32 $0xFFFFFFD8  }
0x135: {  	_ =	swait.ge [sflag:s23], $0x28  }
0x136: {  	s25 =	simm.s32 $0x200;
	[sflag:s23] =	ssyncset.done $0x0  }
0x137: {  	s29 =	simm.s32 $0x5500;
	s10 =	simm.s32 $0x1;
	[sflag:s23] =	ssyncadd.s32 $0xFFFFFFD8  }
0x138: {  	[tilespmem:s29], [sflag:$0x5] =	stream.indirect.gather [hbm4b:s1+s15], $0x80, s25, s15, $0xb8;
	[tilespmem:$0x1A180] =	vst v63  }
0x139: {  	_ =	swait.ge [sflag:s10], $0x1400  }
0x13a: {  	s12 =	simm.s32 $0x280;
	[sflag:s10] =	ssyncset.done $0x0  }
0x13b: {  	s8 =	smov.u32 s7;
	s9 =	rddreg [dreg:$0xe];
	[sflag:s10] =	ssyncadd.s32 $0xFFFFEC00  }
0x13c: {  	[spmem:s2] =	stream.indirect.scatter.add.f32 [tilespmem:s11], [sflag:$0x6], $0x80, s12, s15, $0xb8;
	[tilespmem:$0x1A180] =	vst v63  }
0x13d: {  	s16 =	rddreg [dreg:$0xd];
	s9 =	sadd.s32 s8, s9  }
0x13e: {  	[tilespmem:s4], [sflag:$0xB] =	stream.linear.gather [hbm4b:s9+s4], $0x28, $0x38;
	[tilespmem:$0x1A180] =	vst v63  }
0x13f: {  	s16 =	sadd.s32 s8, s16;
	s9 =	simm.s32 $0x2  }
0x140: {  	[tilespmem:s12], [sflag:$0xB] =	stream.linear.gather [hbm4b:s16+s4], $0x28, $0x38;
	[tilespmem:$0x1A180] =	vst v63  }
0x141: {  	_ =	swait.ge [sflag:s9], $0x1400  }
0x142: {  	[sflag:s9] =	ssyncset.done $0x0  }
0x143: {  	s16 =	simm.s32 $0x300;
	s12 =	rddreg [dreg:$0xc];
	[sflag:s9] =	ssyncadd.s32 $0xFFFFEC00  }
0x144: {  	[spmem:s2] =	stream.indirect.scatter.add.f32 [tilespmem:s20], [sflag:$0x7], $0x80, s16, s15, $0xb8;
	[tilespmem:$0x1A180] =	vst v63  }
0x145: {  	s10 =	rddreg [dreg:$0xb];
	s9 =	sadd.s32 s8, s12  }
0x146: {  	[tilespmem:s13], [sflag:$0xC] =	stream.linear.gather [hbm4b:s9+s4], $0x28, $0x38;
	[tilespmem:$0x1A180] =	vst v63  }
0x147: {  	s20 =	sadd.s32 s8, s10;
	s9 =	simm.s32 $0x3  }
0x148: {  	[tilespmem:s16], [sflag:$0xC] =	stream.linear.gather [hbm4b:s20+s4], $0x28, $0x38;
	[tilespmem:$0x1A180] =	vst v63  }
0x149: {  	_ =	swait.ge [sflag:s9], $0x1400  }
0x14a: {  	[sflag:s9] =	ssyncset.done $0x0  }
0x14b: {  	s20 =	simm.s32 $0x380;
	s16 =	rddreg [dreg:$0xa];
	[sflag:s9] =	ssyncadd.s32 $0xFFFFEC00  }
0x14c: {  	[spmem:s2] =	stream.indirect.scatter.add.f32 [tilespmem:s24], [sflag:$0x8], $0x80, s20, s15, $0xb8;
	[tilespmem:$0x1A180] =	vst v63  }
0x14d: {  	s10 =	rddreg [dreg:$0x9];
	s9 =	sadd.s32 s8, s16  }
0x14e: {  	[tilespmem:s18], [sflag:$0xD] =	stream.linear.gather [hbm4b:s9+s4], $0x28, $0x38;
	[tilespmem:$0x1A180] =	vst v63  }
0x14f: {  	s24 =	sadd.s32 s8, s10;
	s9 =	simm.s32 $0x4  }
0x150: {  	[tilespmem:s20], [sflag:$0xD] =	stream.linear.gather [hbm4b:s24+s4], $0x28, $0x38;
	[tilespmem:$0x1A180] =	vst v63  }
0x151: {  	p1 =	sne.s32 s7, $0x497;
	_ =	swait.ge [sflag:s9], $0x1400  }
0x152: {  	s7 =	sadd.s32 $0x19, s7;
	s11 =	simm.s32 $0x280;
	[sflag:s9] =	ssyncset.done $0x0  }
0x153: {  	s24 =	simm.s32 $0x400;
	s20 =	rddreg [dreg:$0x8];
	[sflag:s9] =	ssyncadd.s32 $0xFFFFEC00  }
0x154: {  	[spmem:s2] =	stream.indirect.scatter.add.f32 [tilespmem:s28], [sflag:$0x9], $0x80, s24, s15, $0xb8;
	[tilespmem:$0x1A180] =	vst v63  }
0x155: {  	s12 =	simm.s32 $0x80;
	s10 =	rddreg [dreg:$0x7];
	s9 =	sadd.s32 s8, s20  }
0x156: {  	[tilespmem:s22], [sflag:$0xE] =	stream.linear.gather [hbm4b:s9+s4], $0x28, $0x38;
	[tilespmem:$0x1A180] =	vst v63  }
0x157: {  	s13 =	simm.s32 $0x300;
	s16 =	simm.s32 $0x100;
	s10 =	sadd.s32 s8, s10  }
0x158: {  	[tilespmem:s24], [sflag:$0xE] =	stream.linear.gather [hbm4b:s10+s4], $0x28, $0x38;
	[tilespmem:$0x1A180] =	vst v63  }
0x159: {  	s18 =	simm.s32 $0x380;
	s20 =	simm.s32 $0x180;
	_ =	swait.ge [sflag:s30], $0x1400  }
.Ltmp0:
0x15a: {  	[sflag:s30] =	ssyncset.done $0x0;
	s24 =	rddreg [dreg:$0x6];
	(pc) =	sbr.rel @p1 .LBB2_2-.Ltmp0, $4  }
0x15b: {  	s22 =	simm.s32 $0x400;
	s28 =	rddreg [dreg:$0x5];
	[sflag:s30] =	ssyncadd.s32 $0xFFFFEC00  }
0x15c: {  	[spmem:s2] =	stream.indirect.scatter.add.f32 [tilespmem:s29], [sflag:$0xA], $0x80, s26, s15, $0xb8;
	[tilespmem:$0x1A180] =	vst v63  }
0x15d: {  	s9 =	sadd.s32 s8, s24;
	s24 =	simm.s32 $0x200;
	s8 =	sadd.s32 s8, s28  }
0x15e: {  	[tilespmem:s25], [sflag:$0xF] =	stream.linear.gather [hbm4b:s9+s4], $0x28, $0x38;
	[tilespmem:$0x1A180] =	vst v63  }
0x15f: {  	s7 =	simm.s32 $0x480  }
0x160: {  	[tilespmem:s7], [sflag:$0xF] =	stream.linear.gather [hbm4b:s8+s4], $0x28, $0x38;
	[tilespmem:$0x1A180] =	vst v63  }
0x161: {  	_ =	swait.ge [sflag:s31], $0x1400  }
0x162: {  	[sflag:s31] =	ssyncset.done $0x0  }
0x163: {  	[sflag:s31] =	ssyncadd.s32 $0xFFFFEC00  }
0x164: {  	_ =	swait.ge [sflag:s14], $0x28  }
0x165: {  	[sflag:s14] =	ssyncset.done $0x0  }
0x166: {  	[sflag:s14] =	ssyncadd.s32 $0xFFFFFFD8  }
0x167: {  	_ =	swait.ge [sflag:s14], $0x28  }
0x168: {  	[sflag:s14] =	ssyncset.done $0x0  }
0x169: {  	s26 =	simm.s32 $0x500;
	[sflag:s14] =	ssyncadd.s32 $0xFFFFFFD8  }
0x16a: {  	[tilespmem:s26], [sflag:$0x1] =	stream.indirect.gather [hbm4b:s1+s15], $0x80, s4, s15, $0xb8;
	[tilespmem:$0x1A180] =	vst v63  }
0x16b: {  	_ =	swait.ge [sflag:s0], $0x1400  }
0x16c: {  	[sflag:s0] =	ssyncset.done $0x0  }
0x16d: {  	[sflag:s0] =	ssyncadd.s32 $0xFFFFEC00  }
0x16e: {  	_ =	swait.ge [sflag:s17], $0x28  }
0x16f: {  	[sflag:s17] =	ssyncset.done $0x0  }
0x170: {  	[sflag:s17] =	ssyncadd.s32 $0xFFFFFFD8  }
0x171: {  	_ =	swait.ge [sflag:s17], $0x28  }
0x172: {  	[sflag:s17] =	ssyncset.done $0x0  }
0x173: {  	s9 =	simm.s32 $0x1900;
	[sflag:s17] =	ssyncadd.s32 $0xFFFFFFD8  }
0x174: {  	[tilespmem:s9], [sflag:$0x2] =	stream.indirect.gather [hbm4b:s1+s15], $0x80, s12, s15, $0xb8;
	[tilespmem:$0x1A180] =	vst v63  }
0x175: {  	_ =	swait.ge [sflag:s5], $0x1400  }
0x176: {  	[sflag:s5] =	ssyncset.done $0x0  }
0x177: {  	[sflag:s5] =	ssyncadd.s32 $0xFFFFEC00  }
0x178: {  	_ =	swait.ge [sflag:s19], $0x28  }
0x179: {  	[sflag:s19] =	ssyncset.done $0x0  }
0x17a: {  	[sflag:s19] =	ssyncadd.s32 $0xFFFFFFD8  }
0x17b: {  	_ =	swait.ge [sflag:s19], $0x28  }
0x17c: {  	[sflag:s19] =	ssyncset.done $0x0  }
0x17d: {  	s10 =	simm.s32 $0x2D00;
	[sflag:s19] =	ssyncadd.s32 $0xFFFFFFD8  }
0x17e: {  	[tilespmem:s10], [sflag:$0x3] =	stream.indirect.gather [hbm4b:s1+s15], $0x80, s16, s15, $0xb8;
	[tilespmem:$0x1A180] =	vst v63  }
0x17f: {  	_ =	swait.ge [sflag:s3], $0x1400  }
0x180: {  	[sflag:s3] =	ssyncset.done $0x0  }
0x181: {  	[sflag:s3] =	ssyncadd.s32 $0xFFFFEC00  }
0x182: {  	_ =	swait.ge [sflag:s21], $0x28  }
0x183: {  	[sflag:s21] =	ssyncset.done $0x0  }
0x184: {  	[sflag:s21] =	ssyncadd.s32 $0xFFFFFFD8  }
0x185: {  	_ =	swait.ge [sflag:s21], $0x28  }
0x186: {  	[sflag:s21] =	ssyncset.done $0x0  }
0x187: {  	s16 =	simm.s32 $0x4100;
	[sflag:s21] =	ssyncadd.s32 $0xFFFFFFD8  }
0x188: {  	[tilespmem:s16], [sflag:$0x4] =	stream.indirect.gather [hbm4b:s1+s15], $0x80, s20, s15, $0xb8;
	[tilespmem:$0x1A180] =	vst v63  }
0x189: {  	_ =	swait.ge [sflag:s6], $0x1400  }
0x18a: {  	[sflag:s6] =	ssyncset.done $0x0  }
0x18b: {  	[sflag:s6] =	ssyncadd.s32 $0xFFFFEC00  }
0x18c: {  	_ =	swait.ge [sflag:s23], $0x28  }
0x18d: {  	[sflag:s23] =	ssyncset.done $0x0  }
0x18e: {  	[sflag:s23] =	ssyncadd.s32 $0xFFFFFFD8  }
0x18f: {  	_ =	swait.ge [sflag:s23], $0x28  }
0x190: {  	[sflag:s23] =	ssyncset.done $0x0  }
0x191: {  	s28 =	simm.s32 $0x5500;
	s29 =	simm.s32 $0x1;
	[sflag:s23] =	ssyncadd.s32 $0xFFFFFFD8  }
0x192: {  	[tilespmem:s28], [sflag:$0x5] =	stream.indirect.gather [hbm4b:s1+s15], $0x80, s24, s15, $0xb8;
	[tilespmem:$0x1A180] =	vst v63  }
0x193: {  	_ =	swait.ge [sflag:s29], $0x1400  }
0x194: {  	[sflag:s29] =	ssyncset.done $0x0  }
0x195: {  	s24 =	simm.s32 $0x2;
	[sflag:s29] =	ssyncadd.s32 $0xFFFFEC00  }
0x196: {  	[spmem:s2] =	stream.indirect.scatter.add.f32 [tilespmem:s26], [sflag:$0x6], $0x80, s11, s15, $0xb8;
	[tilespmem:$0x1A180] =	vst v63  }
0x197: {  	_ =	swait.ge [sflag:s24], $0x1400  }
0x198: {  	[sflag:s24] =	ssyncset.done $0x0  }
0x199: {  	s25 =	simm.s32 $0x3;
	[sflag:s24] =	ssyncadd.s32 $0xFFFFEC00  }
0x19a: {  	[spmem:s2] =	stream.indirect.scatter.add.f32 [tilespmem:s9], [sflag:$0x7], $0x80, s13, s15, $0xb8;
	[tilespmem:$0x1A180] =	vst v63  }
0x19b: {  	_ =	swait.ge [sflag:s25], $0x1400  }
0x19c: {  	[sflag:s25] =	ssyncset.done $0x0  }
0x19d: {  	s26 =	simm.s32 $0x4;
	[sflag:s25] =	ssyncadd.s32 $0xFFFFEC00  }
0x19e: {  	[spmem:s2] =	stream.indirect.scatter.add.f32 [tilespmem:s10], [sflag:$0x8], $0x80, s18, s15, $0xb8;
	[tilespmem:$0x1A180] =	vst v63  }
0x19f: {  	_ =	swait.ge [sflag:s26], $0x1400  }
0x1a0: {  	[sflag:s26] =	ssyncset.done $0x0  }
0x1a1: {  	[sflag:s26] =	ssyncadd.s32 $0xFFFFEC00  }
0x1a2: {  	[spmem:s2] =	stream.indirect.scatter.add.f32 [tilespmem:s16], [sflag:$0x9], $0x80, s22, s15, $0xb8;
	[tilespmem:$0x1A180] =	vst v63  }
0x1a3: {  	_ =	swait.ge [sflag:s30], $0x1400  }
0x1a4: {  	[sflag:s30] =	ssyncset.done $0x0  }
0x1a5: {  	[sflag:s30] =	ssyncadd.s32 $0xFFFFEC00  }
0x1a6: {  	[spmem:s2] =	stream.indirect.scatter.add.f32 [tilespmem:s28], [sflag:$0xA], $0x80, s7, s15, $0xb8;
	[tilespmem:$0x1A180] =	vst v63  }
0x1a7: {  	_ =	swait.ge [sflag:s31], $0x1400  }
0x1a8: {  	[sflag:s31] =	ssyncset.done $0x0  }
0x1a9: {  	[sflag:s31] =	ssyncadd.s32 $0xFFFFEC00  }
0x1aa: {  	_ =	swait.ge [sflag:s0], $0x1400  }
0x1ab: {  	[sflag:s0] =	ssyncset.done $0x0  }
0x1ac: {  	[sflag:s0] =	ssyncadd.s32 $0xFFFFEC00  }
0x1ad: {  	_ =	swait.ge [sflag:s5], $0x1400  }
0x1ae: {  	[sflag:s5] =	ssyncset.done $0x0  }
0x1af: {  	[sflag:s5] =	ssyncadd.s32 $0xFFFFEC00  }
0x1b0: {  	_ =	swait.ge [sflag:s3], $0x1400  }
0x1b1: {  	[sflag:s3] =	ssyncset.done $0x0  }
0x1b2: {  	[sflag:s3] =	ssyncadd.s32 $0xFFFFEC00  }
0x1b3: {  	_ =	swait.ge [sflag:s6], $0x1400  }
0x1b4: {  	[sflag:s6] =	ssyncset.done $0x0  }
0x1b5: {  	[sflag:s6] =	ssyncadd.s32 $0xFFFFEC00  }
0x1b6: {  	[bflag:$0x0] =	sbarrier.arrive $0xFFFF  }
0x1b7: {  	s8 =	sld [smem:$0x7F6]  }
0x1b8: {  	s9 =	sld [smem:$0x7F1];
	_ =	sdelay $0x1  }
0x1b9: {  	s7 =	simm.s32 @p0 $0x1FD1  }
0x1ba: {  	[hbm:s8], [sflag:s7] =	dma.local @p0 [spmem:s9], $0x2800  }
0x1bb: {  	s7 =	simm.s32 @p0 $0x11  }
0x1bc: {  	_ =	swait.ge @p0 [sflag:s7], $0x2800  }
0x1bd: {  	[sflag:s7] =	ssyncset.done @p0 $0x0  }
0x1be: {  	[sflag:s7] =	ssyncadd.s32 @p0 $0xFFFFD800;
	s7 =	sld [smem:$0x7F2]  }
0x1bf: {  	s9 =	sld [smem:$0x7F3];
	_ =	sdelay $0x1  }
0x1c0: {  	s8 =	rddreg [dreg:$0x19];
	s7 =	sor.u32 @!p0 $0x1C11, s7  }
0x1c1: {  	[hbm:s8], [sflag:s7] =	dma.local @!p0 [spmem:s9], $0x2700  }
0x1c2: {  	s7 =	simm.s32 @!p0 $0x11  }
0x1c3: {  	_ =	swait.ge @!p0 [sflag:s7], $0x2700  }
0x1c4: {  	s28 =	sld [smem:$0x7F0]  }
0x1c5: {  	s29 =	sld [smem:$0x7F7];
	_ =	sdelay $0x1  }
0x1c6: {  	s9 =	sadd.s32 $0x1, s28  }
0x1c7: {  	p1 =	sne.s32 s9, s29  }
.Ltmp1:
0x1c8: {  	_ = 	snop;
	(pc) =	sbr.rel @p1 .LBB2_1-.Ltmp1, $3  }
0x1c9: {  	_ =	sdelay $0x1  }
0x1ca: {  	[sflag:s7] =	ssyncset.done @!p0 $0x0  }
0x1cb: {  	[sflag:s7] =	ssyncadd.s32 @!p0 $0xFFFFD900  }
0x1cc: {  	_ =	sfence.sel $0x180000  }
0x1cd: {  	[bflag:$0x0] =	sbarrier.arrive $0xFFFF  }
0x1ce: {  	_ =	strace $0x90000047  }
0x1cf: {  	s0 =	stileid.u32;
	[bflag:$0x2] =	sbarrier.arrive $0xFFFF  }
0x1d0: {  	p0 =	sne.s32 s0, $0x0;
	s0 =	rddreg [dreg:$0x4]  }
0x1d1: {  	s0 =	sadd.s32 @!p0 $0x100000, s0  }
0x1d2: {  	[sflag:s0] =	ssyncadd.tile.s32 @!p0 $0x1;
	_ =	shalt  }
.Lfunc_end2:
_tile_overlayer_lowered:
.L_overlay_start_2:
0x1d3: {  	(tag) =	ssettag $0x2  }
0x1d4: {  	s0 =	rddreg [dreg:$0x0];
	s2 =	stileid.u32  }
0x1d5: {  	s1 =	rddreg [dreg:$0x1];
	p0 =	sne.s32 s2, $0x0  }
0x1d6: {  	s3 =	rddreg [dreg:$0x2];
	[bflag:$0x3] =	sbarrier.arrive $0xFFFF;
	s2 =	simm.s32 @!p0 $0x1C11  }
0x1d7: {  	[timem:s3], [sflag:s2] =	dma.local @!p0 [hbm:s0], s1  }
0x1d8: {  	s0 =	simm.s32 @!p0 $0x11  }
0x1d9: {  	_ =	swait.ge @!p0 [sflag:s0], s1  }
0x1da: {  	s1 =	ssub.s32 @!p0 $0x0, s1;
	[sflag:s0] =	ssyncset.done @!p0 $0x0  }
0x1db: {  	[sflag:s0] =	ssyncadd.s32 @!p0 s1  }
0x1dc: {  	[bflag:$0x3] =	sbarrier.arrive $0xFFFF  }
0x1dd: {  	_ =	shalt  }

</sc_bundles>
